<compile_context>
chip_gen: v7x
topology: tpu7x:2x2x1
jax: 0.10.2.dev20260603
libtpu: 0.0.44.dev20260713+nightly
codegen_flags: <defaults>
</compile_context>

<pallas_src>
import functools
import math

import jax
import jax.numpy as jnp
from jax import lax
from jax.experimental import pallas as pl
from jax.experimental.pallas import tpu as pltpu
from jax.experimental.pallas import tpu_sc as plsc

_DIM = 64
_PADDIM = 128
_SCALE = math.sqrt(_DIM)
_LANES = 16

_NC = 2
_NS = 16
_NW = _NC * _NS

_GBUF = 8
_LOOK = 6
_OBUF = 4


def _make_lookup(n_sent, seq):
    assert n_sent % _NW == 0
    sent_w = n_sent // _NW
    idx_w = sent_w * seq
    mesh = plsc.VectorSubcoreMesh(core_axis_name="c", subcore_axis_name="s")
    vecs = (seq + _LANES - 1) // _LANES

    @functools.partial(
        pl.kernel,
        mesh=mesh,
        out_type=jax.ShapeDtypeStruct((n_sent, seq, _DIM), jnp.float32),
        scratch_types=[
            pltpu.VMEM((idx_w + _LANES,), jnp.int32),
            pltpu.VMEM((_GBUF, vecs * _LANES, _PADDIM), jnp.float32),
            pltpu.VMEM((_OBUF, seq, _DIM), jnp.float32),
            pltpu.SemaphoreType.DMA((_GBUF,)),
            pltpu.SemaphoreType.DMA((_OBUF,)),
        ],
        compiler_params=pltpu.CompilerParams(use_tc_tiling_on_sc=True),
    )
    def lookup(idx_hbm, table_hbm, out_hbm, idx_v, rows_v, stage_v, gsem, osem):
        wid = lax.axis_index("s") * _NC + lax.axis_index("c")
        wbase = wid * idx_w

        pltpu.sync_copy(idx_hbm.at[pl.ds(wbase, idx_w)], idx_v.at[pl.ds(0, idx_w)])
        idx_v[pl.ds(idx_w, _LANES)] = jnp.zeros((_LANES,), jnp.int32)

        def gather_sent(t, start):
            s = lax.rem(t, _GBUF)
            copies = []
            for j in range(vecs):
                iv = idx_v[pl.ds(t * seq + j * _LANES, _LANES)]
                c = pltpu.make_async_copy(
                    table_hbm.at[iv],
                    rows_v.at[s, pl.ds(j * _LANES, _LANES)],
                    gsem.at[s],
                )
                if start:
                    c.start()
                copies.append(c)
            return copies

        def out_copy(t):
            ss = lax.rem(t, _OBUF)
            return pltpu.make_async_copy(
                stage_v.at[ss],
                out_hbm.at[wid * sent_w + t],
                osem.at[ss],
            )

        for t in range(_LOOK):
            gather_sent(t, True)

        def sent_body(t, carry):
            s = lax.rem(t, _GBUF)
            ss = lax.rem(t, _OBUF)

            @pl.when(t + _LOOK < sent_w)
            def _fire_ahead():
                gather_sent(t + _LOOK, True)

            for c in gather_sent(t, False):
                c.wait()

            @pl.when(t >= _OBUF)
            def _drain_out():
                out_copy(t - _OBUF).wait()

            @plsc.parallel_loop(0, seq, step=1, unroll=8)
            def _scale(r):
                for cc in range(_DIM // _LANES):
                    sl = pl.ds(cc * _LANES, _LANES)
                    stage_v[ss, r, sl] = rows_v[s, r, sl] * _SCALE

            out_copy(t).start()
            return carry

        lax.fori_loop(0, sent_w, sent_body, 0)

        for t in range(sent_w - _OBUF, sent_w):
            out_copy(t).wait()

    return lookup


def kernel(x, table):
    n_sent, seq = x.shape
    idx_flat = x.reshape(n_sent * seq).astype(jnp.int32)
    table_pad = jnp.pad(table, ((0, 0), (0, _PADDIM - _DIM)))
    out = _make_lookup(n_sent, seq)(idx_flat, table_pad)
    return lax.optimization_barrier(out)

# --- scband reference (transcript-rebuilt; emitter-appended) ---
"""Pipeline reference for scband-embedding-layer-65558380806551 (READ-ONLY COPY).

The authoritative reference and input builder live on the scoring server;
editing this copy changes nothing except your own understanding.
"""

import jax, jax.numpy as jnp
import numpy as np
import math

VOCAB = 1000000
DIM = 64

def setup_inputs(seed: int = 0) -> dict:
    key = jax.random.key(seed)
    k1, k2 = jax.random.split(key)
    x = jax.random.randint(k1, (16384, 50), 0, VOCAB, dtype=jnp.int64 if jax.config.jax_enable_x64 else jnp.int32)
    table = jax.random.normal(k2, (VOCAB, DIM), dtype=jnp.float32)
    return {"x": x, "table": table}

def reference(x, table):
    # nn.Embedding lookup followed by scaling by sqrt(dim)
    emb = jnp.take(table, x, axis=0)
    return emb * math.sqrt(DIM)

if __name__ == "__main__":
    import jax
    _d = setup_inputs()
    print(jax.jit(kernel)(*tuple(_d.values())))

</pallas_src>

<mosaic_0001>
#map = affine_map<(d0, d1) -> (0)>
#map1 = affine_map<(d0, d1) -> (0, 0)>
#map2 = affine_map<(d0, d1) -> (0, 0, 0)>
module attributes {stable_mosaic.version = 14 : i64} {
  func.func @lookup(%arg0: i32, %arg1: i32, %arg2: memref<819200xi32, #tpu.memory_space<hbm>>, %arg3: memref<1000000x128xf32, #tpu.memory_space<hbm>>, %arg4: memref<16384x50x64xf32, #tpu.memory_space<hbm>>, %arg5: memref<25616xi32, #tpu.memory_space<vmem>>, %arg6: memref<8x64x128xf32, #tpu.memory_space<vmem>>, %arg7: memref<4x50x64xf32, #tpu.memory_space<vmem>>, %arg8: memref<8x!tpu.dma_semaphore, #tpu.memory_space<semaphore_mem>>, %arg9: memref<4x!tpu.dma_semaphore, #tpu.memory_space<semaphore_mem>>) attributes {dimension_semantics = [#tpu.dimension_semantics<core_parallel>, #tpu.dimension_semantics<subcore_parallel>], iteration_bounds = array<i64: 2, 16>, scalar_prefetch = 0 : i64, scratch_operands = 5 : i64, tpu.core_type = #tpu.core_type<sc_vector_subcore>, window_params = [{transform_indices = #map}, {transform_indices = #map1}, {transform_indices = #map2}]} {
    %mul3A = arith.constant 2 : i32
    %mul3A_0 = arith.muli %arg1, %mul3A : i32
    %add3A = arith.addi %mul3A_0, %arg0 : i32
    %mul3A_1 = arith.constant 25600 : i32
    %mul3A_2 = arith.muli %add3A, %mul3A_1 : i32
    "tpu.region"() ({
      %run_scoped3A = tpu.sem_alloc : memref<!tpu.dma_semaphore, #tpu.memory_space<semaphore_mem>>
      %dma_start3A_414 = arith.constant 0 : i32
      %dma_start3A_415 = tpu.memref_slice %arg5[%dma_start3A_414] : memref<25616xi32, #tpu.memory_space<vmem>> -> memref<25600xi32, #tpu.memory_space<vmem>>
      %dma_start3A_416 = tpu.memref_slice %arg2[%mul3A_2] : memref<819200xi32, #tpu.memory_space<hbm>> -> memref<25600xi32, #tpu.memory_space<hbm>>
      %dma_start3A_417 = arith.constant 0 : i32
      %dma_start3A_418 = tpu.memref_slice %arg5[%dma_start3A_417] : memref<25616xi32, #tpu.memory_space<vmem>> -> memref<25600xi32, #tpu.memory_space<vmem>>
      %dma_start3A_419 = tpu.memref_slice %arg2[%mul3A_2] : memref<819200xi32, #tpu.memory_space<hbm>> -> memref<25600xi32, #tpu.memory_space<hbm>>
      tpu.enqueue_dma source(%dma_start3A_419 : memref<25600xi32, #tpu.memory_space<hbm>>) target(%dma_start3A_418 : memref<25600xi32, #tpu.memory_space<vmem>>) target_semaphore(%run_scoped3A : memref<!tpu.dma_semaphore, #tpu.memory_space<semaphore_mem>>)
      %dma_wait3A_420 = arith.constant 0 : i32
      %dma_wait3A_421 = tpu.memref_slice %arg5[%dma_wait3A_420] : memref<25616xi32, #tpu.memory_space<vmem>> -> memref<25600xi32, #tpu.memory_space<vmem>>
      %dma_wait3A_422 = tpu.memref_slice %arg2[%mul3A_2] : memref<819200xi32, #tpu.memory_space<hbm>> -> memref<25600xi32, #tpu.memory_space<hbm>>
      %dma_wait3A_423 = arith.constant 0 : i32
      %dma_wait3A_424 = tpu.memref_slice %arg5[%dma_wait3A_423] : memref<25616xi32, #tpu.memory_space<vmem>> -> memref<25600xi32, #tpu.memory_space<vmem>>
      %dma_wait3A_425 = tpu.memref_slice %arg2[%mul3A_2] : memref<819200xi32, #tpu.memory_space<hbm>> -> memref<25600xi32, #tpu.memory_space<hbm>>
      tpu.wait_dma2 semaphore(%run_scoped3A : memref<!tpu.dma_semaphore, #tpu.memory_space<semaphore_mem>>) src(%dma_wait3A_425 : memref<25600xi32, #tpu.memory_space<hbm>>) dst(%dma_wait3A_424 : memref<25600xi32, #tpu.memory_space<vmem>>)
      tpu.yield
    }) : () -> ()
    %broadcast_in_dim3A = arith.constant 0 : i32
    %broadcast_in_dim3A_3 = vector.broadcast %broadcast_in_dim3A : i32 to vector<16xi32>
    %swap3A = arith.constant 25600 : index
    %swap3A_4 = tpu.vector_load %arg5[%swap3A] {strides = array<i32>} : memref<25616xi32, #tpu.memory_space<vmem>>, vector<16xi32>,
    %swap3A_5 = vector.shape_cast %swap3A_4 : vector<16xi32> to vector<16xi32>
    %swap3A_6 = vector.shape_cast %broadcast_in_dim3A_3 : vector<16xi32> to vector<16xi32>
    tpu.vector_store %arg5[%swap3A], %swap3A_6 {strides = array<i32>} : memref<25616xi32, #tpu.memory_space<vmem>>, vector<16xi32>,
    %rem3A = arith.constant 0 : i32
    %rem3A_7 = arith.constant 8 : i32
    %rem3A_8 = arith.remsi %rem3A, %rem3A_7 : i32
    %get3A = arith.constant 0 : index
    %get3A_9 = tpu.vector_load %arg5[%get3A] {strides = array<i32>} : memref<25616xi32, #tpu.memory_space<vmem>>, vector<16xi32>,
    %get3A_10 = vector.shape_cast %get3A_9 : vector<16xi32> to vector<16xi32>
    %dma_start3A = arith.constant 0 : i32
    %dma_start3A_11 = arith.constant 0 : i32
    %dma_start3A_12 = tpu.memref_slice %arg6[%rem3A_8, %dma_start3A, %dma_start3A_11] : memref<8x64x128xf32, #tpu.memory_space<vmem>> -> memref<1x16x128xf32, #tpu.memory_space<vmem>>
    %dma_start3A_13 = tpu.memref_squeeze %dma_start3A_12 : memref<1x16x128xf32, #tpu.memory_space<vmem>> -> memref<16x128xf32, #tpu.memory_space<vmem>>
    %dma_start3A_14 = arith.constant 0 : i32
    %dma_start3A_15 = arith.constant 0 : i32
    %dma_start3A_16 = tpu.memref_slice %arg3[%dma_start3A_14, %dma_start3A_15] : memref<1000000x128xf32, #tpu.memory_space<hbm>> -> memref<1000000x128xf32, #tpu.memory_space<hbm>>
    %dma_start3A_17 = tpu.memref_slice %arg8[%rem3A_8] : memref<8x!tpu.dma_semaphore, #tpu.memory_space<semaphore_mem>> -> memref<1x!tpu.dma_semaphore, #tpu.memory_space<semaphore_mem>>
    %dma_start3A_18 = tpu.memref_squeeze %dma_start3A_17 : memref<1x!tpu.dma_semaphore, #tpu.memory_space<semaphore_mem>> -> memref<!tpu.dma_semaphore, #tpu.memory_space<semaphore_mem>>
    tpu.enqueue_indirect_dma source(%dma_start3A_16 : memref<1000000x128xf32, #tpu.memory_space<hbm>>) target(%dma_start3A_13 : memref<16x128xf32, #tpu.memory_space<vmem>>) offsets(%get3A_10 : vector<16xi32>) semaphore(%dma_start3A_18 : memref<!tpu.dma_semaphore, #tpu.memory_space<semaphore_mem>>)
    %get3A_19 = arith.constant 16 : index
    %get3A_20 = tpu.vector_load %arg5[%get3A_19] {strides = array<i32>} : memref<25616xi32, #tpu.memory_space<vmem>>, vector<16xi32>,
    %get3A_21 = vector.shape_cast %get3A_20 : vector<16xi32> to vector<16xi32>
    %dma_start3A_22 = arith.constant 16 : i32
    %dma_start3A_23 = arith.constant 0 : i32
    %dma_start3A_24 = tpu.memref_slice %arg6[%rem3A_8, %dma_start3A_22, %dma_start3A_23] : memref<8x64x128xf32, #tpu.memory_space<vmem>> -> memref<1x16x128xf32, #tpu.memory_space<vmem>>
    %dma_start3A_25 = tpu.memref_squeeze %dma_start3A_24 : memref<1x16x128xf32, #tpu.memory_space<vmem>> -> memref<16x128xf32, #tpu.memory_space<vmem>>
    %dma_start3A_26 = arith.constant 0 : i32
    %dma_start3A_27 = arith.constant 0 : i32
    %dma_start3A_28 = tpu.memref_slice %arg3[%dma_start3A_26, %dma_start3A_27] : memref<1000000x128xf32, #tpu.memory_space<hbm>> -> memref<1000000x128xf32, #tpu.memory_space<hbm>>
    %dma_start3A_29 = tpu.memref_slice %arg8[%rem3A_8] : memref<8x!tpu.dma_semaphore, #tpu.memory_space<semaphore_mem>> -> memref<1x!tpu.dma_semaphore, #tpu.memory_space<semaphore_mem>>
    %dma_start3A_30 = tpu.memref_squeeze %dma_start3A_29 : memref<1x!tpu.dma_semaphore, #tpu.memory_space<semaphore_mem>> -> memref<!tpu.dma_semaphore, #tpu.memory_space<semaphore_mem>>
    tpu.enqueue_indirect_dma source(%dma_start3A_28 : memref<1000000x128xf32, #tpu.memory_space<hbm>>) target(%dma_start3A_25 : memref<16x128xf32, #tpu.memory_space<vmem>>) offsets(%get3A_21 : vector<16xi32>) semaphore(%dma_start3A_30 : memref<!tpu.dma_semaphore, #tpu.memory_space<semaphore_mem>>)
    %get3A_31 = arith.constant 32 : index
    %get3A_32 = tpu.vector_load %arg5[%get3A_31] {strides = array<i32>} : memref<25616xi32, #tpu.memory_space<vmem>>, vector<16xi32>,
    %get3A_33 = vector.shape_cast %get3A_32 : vector<16xi32> to vector<16xi32>
    %dma_start3A_34 = arith.constant 32 : i32
    %dma_start3A_35 = arith.constant 0 : i32
    %dma_start3A_36 = tpu.memref_slice %arg6[%rem3A_8, %dma_start3A_34, %dma_start3A_35] : memref<8x64x128xf32, #tpu.memory_space<vmem>> -> memref<1x16x128xf32, #tpu.memory_space<vmem>>
    %dma_start3A_37 = tpu.memref_squeeze %dma_start3A_36 : memref<1x16x128xf32, #tpu.memory_space<vmem>> -> memref<16x128xf32, #tpu.memory_space<vmem>>
    %dma_start3A_38 = arith.constant 0 : i32
    %dma_start3A_39 = arith.constant 0 : i32
    %dma_start3A_40 = tpu.memref_slice %arg3[%dma_start3A_38, %dma_start3A_39] : memref<1000000x128xf32, #tpu.memory_space<hbm>> -> memref<1000000x128xf32, #tpu.memory_space<hbm>>
    %dma_start3A_41 = tpu.memref_slice %arg8[%rem3A_8] : memref<8x!tpu.dma_semaphore, #tpu.memory_space<semaphore_mem>> -> memref<1x!tpu.dma_semaphore, #tpu.memory_space<semaphore_mem>>
    %dma_start3A_42 = tpu.memref_squeeze %dma_start3A_41 : memref<1x!tpu.dma_semaphore, #tpu.memory_space<semaphore_mem>> -> memref<!tpu.dma_semaphore, #tpu.memory_space<semaphore_mem>>
    tpu.enqueue_indirect_dma source(%dma_start3A_40 : memref<1000000x128xf32, #tpu.memory_space<hbm>>) target(%dma_start3A_37 : memref<16x128xf32, #tpu.memory_space<vmem>>) offsets(%get3A_33 : vector<16xi32>) semaphore(%dma_start3A_42 : memref<!tpu.dma_semaphore, #tpu.memory_space<semaphore_mem>>)
    %get3A_43 = arith.constant 48 : index
    %get3A_44 = tpu.vector_load %arg5[%get3A_43] {strides = array<i32>} : memref<25616xi32, #tpu.memory_space<vmem>>, vector<16xi32>,
    %get3A_45 = vector.shape_cast %get3A_44 : vector<16xi32> to vector<16xi32>
    %dma_start3A_46 = arith.constant 48 : i32
    %dma_start3A_47 = arith.constant 0 : i32
    %dma_start3A_48 = tpu.memref_slice %arg6[%rem3A_8, %dma_start3A_46, %dma_start3A_47] : memref<8x64x128xf32, #tpu.memory_space<vmem>> -> memref<1x16x128xf32, #tpu.memory_space<vmem>>
    %dma_start3A_49 = tpu.memref_squeeze %dma_start3A_48 : memref<1x16x128xf32, #tpu.memory_space<vmem>> -> memref<16x128xf32, #tpu.memory_space<vmem>>
    %dma_start3A_50 = arith.constant 0 : i32
    %dma_start3A_51 = arith.constant 0 : i32
    %dma_start3A_52 = tpu.memref_slice %arg3[%dma_start3A_50, %dma_start3A_51] : memref<1000000x128xf32, #tpu.memory_space<hbm>> -> memref<1000000x128xf32, #tpu.memory_space<hbm>>
    %dma_start3A_53 = tpu.memref_slice %arg8[%rem3A_8] : memref<8x!tpu.dma_semaphore, #tpu.memory_space<semaphore_mem>> -> memref<1x!tpu.dma_semaphore, #tpu.memory_space<semaphore_mem>>
    %dma_start3A_54 = tpu.memref_squeeze %dma_start3A_53 : memref<1x!tpu.dma_semaphore, #tpu.memory_space<semaphore_mem>> -> memref<!tpu.dma_semaphore, #tpu.memory_space<semaphore_mem>>
    tpu.enqueue_indirect_dma source(%dma_start3A_52 : memref<1000000x128xf32, #tpu.memory_space<hbm>>) target(%dma_start3A_49 : memref<16x128xf32, #tpu.memory_space<vmem>>) offsets(%get3A_45 : vector<16xi32>) semaphore(%dma_start3A_54 : memref<!tpu.dma_semaphore, #tpu.memory_space<semaphore_mem>>)
    %rem3A_55 = arith.constant 1 : i32
    %rem3A_56 = arith.constant 8 : i32
    %rem3A_57 = arith.remsi %rem3A_55, %rem3A_56 : i32
    %get3A_58 = arith.constant 50 : index
    %get3A_59 = tpu.vector_load %arg5[%get3A_58] {strides = array<i32>} : memref<25616xi32, #tpu.memory_space<vmem>>, vector<16xi32>,
    %get3A_60 = vector.shape_cast %get3A_59 : vector<16xi32> to vector<16xi32>
    %dma_start3A_61 = arith.constant 0 : i32
    %dma_start3A_62 = arith.constant 0 : i32
    %dma_start3A_63 = tpu.memref_slice %arg6[%rem3A_57, %dma_start3A_61, %dma_start3A_62] : memref<8x64x128xf32, #tpu.memory_space<vmem>> -> memref<1x16x128xf32, #tpu.memory_space<vmem>>
    %dma_start3A_64 = tpu.memref_squeeze %dma_start3A_63 : memref<1x16x128xf32, #tpu.memory_space<vmem>> -> memref<16x128xf32, #tpu.memory_space<vmem>>
    %dma_start3A_65 = arith.constant 0 : i32
    %dma_start3A_66 = arith.constant 0 : i32
    %dma_start3A_67 = tpu.memref_slice %arg3[%dma_start3A_65, %dma_start3A_66] : memref<1000000x128xf32, #tpu.memory_space<hbm>> -> memref<1000000x128xf32, #tpu.memory_space<hbm>>
    %dma_start3A_68 = tpu.memref_slice %arg8[%rem3A_57] : memref<8x!tpu.dma_semaphore, #tpu.memory_space<semaphore_mem>> -> memref<1x!tpu.dma_semaphore, #tpu.memory_space<semaphore_mem>>
    %dma_start3A_69 = tpu.memref_squeeze %dma_start3A_68 : memref<1x!tpu.dma_semaphore, #tpu.memory_space<semaphore_mem>> -> memref<!tpu.dma_semaphore, #tpu.memory_space<semaphore_mem>>
    tpu.enqueue_indirect_dma source(%dma_start3A_67 : memref<1000000x128xf32, #tpu.memory_space<hbm>>) target(%dma_start3A_64 : memref<16x128xf32, #tpu.memory_space<vmem>>) offsets(%get3A_60 : vector<16xi32>) semaphore(%dma_start3A_69 : memref<!tpu.dma_semaphore, #tpu.memory_space<semaphore_mem>>)
    %get3A_70 = arith.constant 66 : index
    %get3A_71 = tpu.vector_load %arg5[%get3A_70] {strides = array<i32>} : memref<25616xi32, #tpu.memory_space<vmem>>, vector<16xi32>,
    %get3A_72 = vector.shape_cast %get3A_71 : vector<16xi32> to vector<16xi32>
    %dma_start3A_73 = arith.constant 16 : i32
    %dma_start3A_74 = arith.constant 0 : i32
    %dma_start3A_75 = tpu.memref_slice %arg6[%rem3A_57, %dma_start3A_73, %dma_start3A_74] : memref<8x64x128xf32, #tpu.memory_space<vmem>> -> memref<1x16x128xf32, #tpu.memory_space<vmem>>
    %dma_start3A_76 = tpu.memref_squeeze %dma_start3A_75 : memref<1x16x128xf32, #tpu.memory_space<vmem>> -> memref<16x128xf32, #tpu.memory_space<vmem>>
    %dma_start3A_77 = arith.constant 0 : i32
    %dma_start3A_78 = arith.constant 0 : i32
    %dma_start3A_79 = tpu.memref_slice %arg3[%dma_start3A_77, %dma_start3A_78] : memref<1000000x128xf32, #tpu.memory_space<hbm>> -> memref<1000000x128xf32, #tpu.memory_space<hbm>>
    %dma_start3A_80 = tpu.memref_slice %arg8[%rem3A_57] : memref<8x!tpu.dma_semaphore, #tpu.memory_space<semaphore_mem>> -> memref<1x!tpu.dma_semaphore, #tpu.memory_space<semaphore_mem>>
    %dma_start3A_81 = tpu.memref_squeeze %dma_start3A_80 : memref<1x!tpu.dma_semaphore, #tpu.memory_space<semaphore_mem>> -> memref<!tpu.dma_semaphore, #tpu.memory_space<semaphore_mem>>
    tpu.enqueue_indirect_dma source(%dma_start3A_79 : memref<1000000x128xf32, #tpu.memory_space<hbm>>) target(%dma_start3A_76 : memref<16x128xf32, #tpu.memory_space<vmem>>) offsets(%get3A_72 : vector<16xi32>) semaphore(%dma_start3A_81 : memref<!tpu.dma_semaphore, #tpu.memory_space<semaphore_mem>>)
    %get3A_82 = arith.constant 82 : index
    %get3A_83 = tpu.vector_load %arg5[%get3A_82] {strides = array<i32>} : memref<25616xi32, #tpu.memory_space<vmem>>, vector<16xi32>,
    %get3A_84 = vector.shape_cast %get3A_83 : vector<16xi32> to vector<16xi32>
    %dma_start3A_85 = arith.constant 32 : i32
    %dma_start3A_86 = arith.constant 0 : i32
    %dma_start3A_87 = tpu.memref_slice %arg6[%rem3A_57, %dma_start3A_85, %dma_start3A_86] : memref<8x64x128xf32, #tpu.memory_space<vmem>> -> memref<1x16x128xf32, #tpu.memory_space<vmem>>
    %dma_start3A_88 = tpu.memref_squeeze %dma_start3A_87 : memref<1x16x128xf32, #tpu.memory_space<vmem>> -> memref<16x128xf32, #tpu.memory_space<vmem>>
    %dma_start3A_89 = arith.constant 0 : i32
    %dma_start3A_90 = arith.constant 0 : i32
    %dma_start3A_91 = tpu.memref_slice %arg3[%dma_start3A_89, %dma_start3A_90] : memref<1000000x128xf32, #tpu.memory_space<hbm>> -> memref<1000000x128xf32, #tpu.memory_space<hbm>>
    %dma_start3A_92 = tpu.memref_slice %arg8[%rem3A_57] : memref<8x!tpu.dma_semaphore, #tpu.memory_space<semaphore_mem>> -> memref<1x!tpu.dma_semaphore, #tpu.memory_space<semaphore_mem>>
    %dma_start3A_93 = tpu.memref_squeeze %dma_start3A_92 : memref<1x!tpu.dma_semaphore, #tpu.memory_space<semaphore_mem>> -> memref<!tpu.dma_semaphore, #tpu.memory_space<semaphore_mem>>
    tpu.enqueue_indirect_dma source(%dma_start3A_91 : memref<1000000x128xf32, #tpu.memory_space<hbm>>) target(%dma_start3A_88 : memref<16x128xf32, #tpu.memory_space<vmem>>) offsets(%get3A_84 : vector<16xi32>) semaphore(%dma_start3A_93 : memref<!tpu.dma_semaphore, #tpu.memory_space<semaphore_mem>>)
    %get3A_94 = arith.constant 98 : index
    %get3A_95 = tpu.vector_load %arg5[%get3A_94] {strides = array<i32>} : memref<25616xi32, #tpu.memory_space<vmem>>, vector<16xi32>,
    %get3A_96 = vector.shape_cast %get3A_95 : vector<16xi32> to vector<16xi32>
    %dma_start3A_97 = arith.constant 48 : i32
    %dma_start3A_98 = arith.constant 0 : i32
    %dma_start3A_99 = tpu.memref_slice %arg6[%rem3A_57, %dma_start3A_97, %dma_start3A_98] : memref<8x64x128xf32, #tpu.memory_space<vmem>> -> memref<1x16x128xf32, #tpu.memory_space<vmem>>
    %dma_start3A_100 = tpu.memref_squeeze %dma_start3A_99 : memref<1x16x128xf32, #tpu.memory_space<vmem>> -> memref<16x128xf32, #tpu.memory_space<vmem>>
    %dma_start3A_101 = arith.constant 0 : i32
    %dma_start3A_102 = arith.constant 0 : i32
    %dma_start3A_103 = tpu.memref_slice %arg3[%dma_start3A_101, %dma_start3A_102] : memref<1000000x128xf32, #tpu.memory_space<hbm>> -> memref<1000000x128xf32, #tpu.memory_space<hbm>>
    %dma_start3A_104 = tpu.memref_slice %arg8[%rem3A_57] : memref<8x!tpu.dma_semaphore, #tpu.memory_space<semaphore_mem>> -> memref<1x!tpu.dma_semaphore, #tpu.memory_space<semaphore_mem>>
    %dma_start3A_105 = tpu.memref_squeeze %dma_start3A_104 : memref<1x!tpu.dma_semaphore, #tpu.memory_space<semaphore_mem>> -> memref<!tpu.dma_semaphore, #tpu.memory_space<semaphore_mem>>
    tpu.enqueue_indirect_dma source(%dma_start3A_103 : memref<1000000x128xf32, #tpu.memory_space<hbm>>) target(%dma_start3A_100 : memref<16x128xf32, #tpu.memory_space<vmem>>) offsets(%get3A_96 : vector<16xi32>) semaphore(%dma_start3A_105 : memref<!tpu.dma_semaphore, #tpu.memory_space<semaphore_mem>>)
    %rem3A_106 = arith.constant 2 : i32
    %rem3A_107 = arith.constant 8 : i32
    %rem3A_108 = arith.remsi %rem3A_106, %rem3A_107 : i32
    %get3A_109 = arith.constant 100 : index
    %get3A_110 = tpu.vector_load %arg5[%get3A_109] {strides = array<i32>} : memref<25616xi32, #tpu.memory_space<vmem>>, vector<16xi32>,
    %get3A_111 = vector.shape_cast %get3A_110 : vector<16xi32> to vector<16xi32>
    %dma_start3A_112 = arith.constant 0 : i32
    %dma_start3A_113 = arith.constant 0 : i32
    %dma_start3A_114 = tpu.memref_slice %arg6[%rem3A_108, %dma_start3A_112, %dma_start3A_113] : memref<8x64x128xf32, #tpu.memory_space<vmem>> -> memref<1x16x128xf32, #tpu.memory_space<vmem>>
    %dma_start3A_115 = tpu.memref_squeeze %dma_start3A_114 : memref<1x16x128xf32, #tpu.memory_space<vmem>> -> memref<16x128xf32, #tpu.memory_space<vmem>>
    %dma_start3A_116 = arith.constant 0 : i32
    %dma_start3A_117 = arith.constant 0 : i32
    %dma_start3A_118 = tpu.memref_slice %arg3[%dma_start3A_116, %dma_start3A_117] : memref<1000000x128xf32, #tpu.memory_space<hbm>> -> memref<1000000x128xf32, #tpu.memory_space<hbm>>
    %dma_start3A_119 = tpu.memref_slice %arg8[%rem3A_108] : memref<8x!tpu.dma_semaphore, #tpu.memory_space<semaphore_mem>> -> memref<1x!tpu.dma_semaphore, #tpu.memory_space<semaphore_mem>>
    %dma_start3A_120 = tpu.memref_squeeze %dma_start3A_119 : memref<1x!tpu.dma_semaphore, #tpu.memory_space<semaphore_mem>> -> memref<!tpu.dma_semaphore, #tpu.memory_space<semaphore_mem>>
    tpu.enqueue_indirect_dma source(%dma_start3A_118 : memref<1000000x128xf32, #tpu.memory_space<hbm>>) target(%dma_start3A_115 : memref<16x128xf32, #tpu.memory_space<vmem>>) offsets(%get3A_111 : vector<16xi32>) semaphore(%dma_start3A_120 : memref<!tpu.dma_semaphore, #tpu.memory_space<semaphore_mem>>)
    %get3A_121 = arith.constant 116 : index
    %get3A_122 = tpu.vector_load %arg5[%get3A_121] {strides = array<i32>} : memref<25616xi32, #tpu.memory_space<vmem>>, vector<16xi32>,
    %get3A_123 = vector.shape_cast %get3A_122 : vector<16xi32> to vector<16xi32>
    %dma_start3A_124 = arith.constant 16 : i32
    %dma_start3A_125 = arith.constant 0 : i32
    %dma_start3A_126 = tpu.memref_slice %arg6[%rem3A_108, %dma_start3A_124, %dma_start3A_125] : memref<8x64x128xf32, #tpu.memory_space<vmem>> -> memref<1x16x128xf32, #tpu.memory_space<vmem>>
    %dma_start3A_127 = tpu.memref_squeeze %dma_start3A_126 : memref<1x16x128xf32, #tpu.memory_space<vmem>> -> memref<16x128xf32, #tpu.memory_space<vmem>>
    %dma_start3A_128 = arith.constant 0 : i32
    %dma_start3A_129 = arith.constant 0 : i32
    %dma_start3A_130 = tpu.memref_slice %arg3[%dma_start3A_128, %dma_start3A_129] : memref<1000000x128xf32, #tpu.memory_space<hbm>> -> memref<1000000x128xf32, #tpu.memory_space<hbm>>
    %dma_start3A_131 = tpu.memref_slice %arg8[%rem3A_108] : memref<8x!tpu.dma_semaphore, #tpu.memory_space<semaphore_mem>> -> memref<1x!tpu.dma_semaphore, #tpu.memory_space<semaphore_mem>>
    %dma_start3A_132 = tpu.memref_squeeze %dma_start3A_131 : memref<1x!tpu.dma_semaphore, #tpu.memory_space<semaphore_mem>> -> memref<!tpu.dma_semaphore, #tpu.memory_space<semaphore_mem>>
    tpu.enqueue_indirect_dma source(%dma_start3A_130 : memref<1000000x128xf32, #tpu.memory_space<hbm>>) target(%dma_start3A_127 : memref<16x128xf32, #tpu.memory_space<vmem>>) offsets(%get3A_123 : vector<16xi32>) semaphore(%dma_start3A_132 : memref<!tpu.dma_semaphore, #tpu.memory_space<semaphore_mem>>)
    %get3A_133 = arith.constant 132 : index
    %get3A_134 = tpu.vector_load %arg5[%get3A_133] {strides = array<i32>} : memref<25616xi32, #tpu.memory_space<vmem>>, vector<16xi32>,
    %get3A_135 = vector.shape_cast %get3A_134 : vector<16xi32> to vector<16xi32>
    %dma_start3A_136 = arith.constant 32 : i32
    %dma_start3A_137 = arith.constant 0 : i32
    %dma_start3A_138 = tpu.memref_slice %arg6[%rem3A_108, %dma_start3A_136, %dma_start3A_137] : memref<8x64x128xf32, #tpu.memory_space<vmem>> -> memref<1x16x128xf32, #tpu.memory_space<vmem>>
    %dma_start3A_139 = tpu.memref_squeeze %dma_start3A_138 : memref<1x16x128xf32, #tpu.memory_space<vmem>> -> memref<16x128xf32, #tpu.memory_space<vmem>>
    %dma_start3A_140 = arith.constant 0 : i32
    %dma_start3A_141 = arith.constant 0 : i32
    %dma_start3A_142 = tpu.memref_slice %arg3[%dma_start3A_140, %dma_start3A_141] : memref<1000000x128xf32, #tpu.memory_space<hbm>> -> memref<1000000x128xf32, #tpu.memory_space<hbm>>
    %dma_start3A_143 = tpu.memref_slice %arg8[%rem3A_108] : memref<8x!tpu.dma_semaphore, #tpu.memory_space<semaphore_mem>> -> memref<1x!tpu.dma_semaphore, #tpu.memory_space<semaphore_mem>>
    %dma_start3A_144 = tpu.memref_squeeze %dma_start3A_143 : memref<1x!tpu.dma_semaphore, #tpu.memory_space<semaphore_mem>> -> memref<!tpu.dma_semaphore, #tpu.memory_space<semaphore_mem>>
    tpu.enqueue_indirect_dma source(%dma_start3A_142 : memref<1000000x128xf32, #tpu.memory_space<hbm>>) target(%dma_start3A_139 : memref<16x128xf32, #tpu.memory_space<vmem>>) offsets(%get3A_135 : vector<16xi32>) semaphore(%dma_start3A_144 : memref<!tpu.dma_semaphore, #tpu.memory_space<semaphore_mem>>)
    %get3A_145 = arith.constant 148 : index
    %get3A_146 = tpu.vector_load %arg5[%get3A_145] {strides = array<i32>} : memref<25616xi32, #tpu.memory_space<vmem>>, vector<16xi32>,
    %get3A_147 = vector.shape_cast %get3A_146 : vector<16xi32> to vector<16xi32>
    %dma_start3A_148 = arith.constant 48 : i32
    %dma_start3A_149 = arith.constant 0 : i32
    %dma_start3A_150 = tpu.memref_slice %arg6[%rem3A_108, %dma_start3A_148, %dma_start3A_149] : memref<8x64x128xf32, #tpu.memory_space<vmem>> -> memref<1x16x128xf32, #tpu.memory_space<vmem>>
    %dma_start3A_151 = tpu.memref_squeeze %dma_start3A_150 : memref<1x16x128xf32, #tpu.memory_space<vmem>> -> memref<16x128xf32, #tpu.memory_space<vmem>>
    %dma_start3A_152 = arith.constant 0 : i32
    %dma_start3A_153 = arith.constant 0 : i32
    %dma_start3A_154 = tpu.memref_slice %arg3[%dma_start3A_152, %dma_start3A_153] : memref<1000000x128xf32, #tpu.memory_space<hbm>> -> memref<1000000x128xf32, #tpu.memory_space<hbm>>
    %dma_start3A_155 = tpu.memref_slice %arg8[%rem3A_108] : memref<8x!tpu.dma_semaphore, #tpu.memory_space<semaphore_mem>> -> memref<1x!tpu.dma_semaphore, #tpu.memory_space<semaphore_mem>>
    %dma_start3A_156 = tpu.memref_squeeze %dma_start3A_155 : memref<1x!tpu.dma_semaphore, #tpu.memory_space<semaphore_mem>> -> memref<!tpu.dma_semaphore, #tpu.memory_space<semaphore_mem>>
    tpu.enqueue_indirect_dma source(%dma_start3A_154 : memref<1000000x128xf32, #tpu.memory_space<hbm>>) target(%dma_start3A_151 : memref<16x128xf32, #tpu.memory_space<vmem>>) offsets(%get3A_147 : vector<16xi32>) semaphore(%dma_start3A_156 : memref<!tpu.dma_semaphore, #tpu.memory_space<semaphore_mem>>)
    %rem3A_157 = arith.constant 3 : i32
    %rem3A_158 = arith.constant 8 : i32
    %rem3A_159 = arith.remsi %rem3A_157, %rem3A_158 : i32
    %get3A_160 = arith.constant 150 : index
    %get3A_161 = tpu.vector_load %arg5[%get3A_160] {strides = array<i32>} : memref<25616xi32, #tpu.memory_space<vmem>>, vector<16xi32>,
    %get3A_162 = vector.shape_cast %get3A_161 : vector<16xi32> to vector<16xi32>
    %dma_start3A_163 = arith.constant 0 : i32
    %dma_start3A_164 = arith.constant 0 : i32
    %dma_start3A_165 = tpu.memref_slice %arg6[%rem3A_159, %dma_start3A_163, %dma_start3A_164] : memref<8x64x128xf32, #tpu.memory_space<vmem>> -> memref<1x16x128xf32, #tpu.memory_space<vmem>>
    %dma_start3A_166 = tpu.memref_squeeze %dma_start3A_165 : memref<1x16x128xf32, #tpu.memory_space<vmem>> -> memref<16x128xf32, #tpu.memory_space<vmem>>
    %dma_start3A_167 = arith.constant 0 : i32
    %dma_start3A_168 = arith.constant 0 : i32
    %dma_start3A_169 = tpu.memref_slice %arg3[%dma_start3A_167, %dma_start3A_168] : memref<1000000x128xf32, #tpu.memory_space<hbm>> -> memref<1000000x128xf32, #tpu.memory_space<hbm>>
    %dma_start3A_170 = tpu.memref_slice %arg8[%rem3A_159] : memref<8x!tpu.dma_semaphore, #tpu.memory_space<semaphore_mem>> -> memref<1x!tpu.dma_semaphore, #tpu.memory_space<semaphore_mem>>
    %dma_start3A_171 = tpu.memref_squeeze %dma_start3A_170 : memref<1x!tpu.dma_semaphore, #tpu.memory_space<semaphore_mem>> -> memref<!tpu.dma_semaphore, #tpu.memory_space<semaphore_mem>>
    tpu.enqueue_indirect_dma source(%dma_start3A_169 : memref<1000000x128xf32, #tpu.memory_space<hbm>>) target(%dma_start3A_166 : memref<16x128xf32, #tpu.memory_space<vmem>>) offsets(%get3A_162 : vector<16xi32>) semaphore(%dma_start3A_171 : memref<!tpu.dma_semaphore, #tpu.memory_space<semaphore_mem>>)
    %get3A_172 = arith.constant 166 : index
    %get3A_173 = tpu.vector_load %arg5[%get3A_172] {strides = array<i32>} : memref<25616xi32, #tpu.memory_space<vmem>>, vector<16xi32>,
    %get3A_174 = vector.shape_cast %get3A_173 : vector<16xi32> to vector<16xi32>
    %dma_start3A_175 = arith.constant 16 : i32
    %dma_start3A_176 = arith.constant 0 : i32
    %dma_start3A_177 = tpu.memref_slice %arg6[%rem3A_159, %dma_start3A_175, %dma_start3A_176] : memref<8x64x128xf32, #tpu.memory_space<vmem>> -> memref<1x16x128xf32, #tpu.memory_space<vmem>>
    %dma_start3A_178 = tpu.memref_squeeze %dma_start3A_177 : memref<1x16x128xf32, #tpu.memory_space<vmem>> -> memref<16x128xf32, #tpu.memory_space<vmem>>
    %dma_start3A_179 = arith.constant 0 : i32
    %dma_start3A_180 = arith.constant 0 : i32
    %dma_start3A_181 = tpu.memref_slice %arg3[%dma_start3A_179, %dma_start3A_180] : memref<1000000x128xf32, #tpu.memory_space<hbm>> -> memref<1000000x128xf32, #tpu.memory_space<hbm>>
    %dma_start3A_182 = tpu.memref_slice %arg8[%rem3A_159] : memref<8x!tpu.dma_semaphore, #tpu.memory_space<semaphore_mem>> -> memref<1x!tpu.dma_semaphore, #tpu.memory_space<semaphore_mem>>
    %dma_start3A_183 = tpu.memref_squeeze %dma_start3A_182 : memref<1x!tpu.dma_semaphore, #tpu.memory_space<semaphore_mem>> -> memref<!tpu.dma_semaphore, #tpu.memory_space<semaphore_mem>>
    tpu.enqueue_indirect_dma source(%dma_start3A_181 : memref<1000000x128xf32, #tpu.memory_space<hbm>>) target(%dma_start3A_178 : memref<16x128xf32, #tpu.memory_space<vmem>>) offsets(%get3A_174 : vector<16xi32>) semaphore(%dma_start3A_183 : memref<!tpu.dma_semaphore, #tpu.memory_space<semaphore_mem>>)
    %get3A_184 = arith.constant 182 : index
    %get3A_185 = tpu.vector_load %arg5[%get3A_184] {strides = array<i32>} : memref<25616xi32, #tpu.memory_space<vmem>>, vector<16xi32>,
    %get3A_186 = vector.shape_cast %get3A_185 : vector<16xi32> to vector<16xi32>
    %dma_start3A_187 = arith.constant 32 : i32
    %dma_start3A_188 = arith.constant 0 : i32
    %dma_start3A_189 = tpu.memref_slice %arg6[%rem3A_159, %dma_start3A_187, %dma_start3A_188] : memref<8x64x128xf32, #tpu.memory_space<vmem>> -> memref<1x16x128xf32, #tpu.memory_space<vmem>>
    %dma_start3A_190 = tpu.memref_squeeze %dma_start3A_189 : memref<1x16x128xf32, #tpu.memory_space<vmem>> -> memref<16x128xf32, #tpu.memory_space<vmem>>
    %dma_start3A_191 = arith.constant 0 : i32
    %dma_start3A_192 = arith.constant 0 : i32
    %dma_start3A_193 = tpu.memref_slice %arg3[%dma_start3A_191, %dma_start3A_192] : memref<1000000x128xf32, #tpu.memory_space<hbm>> -> memref<1000000x128xf32, #tpu.memory_space<hbm>>
    %dma_start3A_194 = tpu.memref_slice %arg8[%rem3A_159] : memref<8x!tpu.dma_semaphore, #tpu.memory_space<semaphore_mem>> -> memref<1x!tpu.dma_semaphore, #tpu.memory_space<semaphore_mem>>
    %dma_start3A_195 = tpu.memref_squeeze %dma_start3A_194 : memref<1x!tpu.dma_semaphore, #tpu.memory_space<semaphore_mem>> -> memref<!tpu.dma_semaphore, #tpu.memory_space<semaphore_mem>>
    tpu.enqueue_indirect_dma source(%dma_start3A_193 : memref<1000000x128xf32, #tpu.memory_space<hbm>>) target(%dma_start3A_190 : memref<16x128xf32, #tpu.memory_space<vmem>>) offsets(%get3A_186 : vector<16xi32>) semaphore(%dma_start3A_195 : memref<!tpu.dma_semaphore, #tpu.memory_space<semaphore_mem>>)
    %get3A_196 = arith.constant 198 : index
    %get3A_197 = tpu.vector_load %arg5[%get3A_196] {strides = array<i32>} : memref<25616xi32, #tpu.memory_space<vmem>>, vector<16xi32>,
    %get3A_198 = vector.shape_cast %get3A_197 : vector<16xi32> to vector<16xi32>
    %dma_start3A_199 = arith.constant 48 : i32
    %dma_start3A_200 = arith.constant 0 : i32
    %dma_start3A_201 = tpu.memref_slice %arg6[%rem3A_159, %dma_start3A_199, %dma_start3A_200] : memref<8x64x128xf32, #tpu.memory_space<vmem>> -> memref<1x16x128xf32, #tpu.memory_space<vmem>>
    %dma_start3A_202 = tpu.memref_squeeze %dma_start3A_201 : memref<1x16x128xf32, #tpu.memory_space<vmem>> -> memref<16x128xf32, #tpu.memory_space<vmem>>
    %dma_start3A_203 = arith.constant 0 : i32
    %dma_start3A_204 = arith.constant 0 : i32
    %dma_start3A_205 = tpu.memref_slice %arg3[%dma_start3A_203, %dma_start3A_204] : memref<1000000x128xf32, #tpu.memory_space<hbm>> -> memref<1000000x128xf32, #tpu.memory_space<hbm>>
    %dma_start3A_206 = tpu.memref_slice %arg8[%rem3A_159] : memref<8x!tpu.dma_semaphore, #tpu.memory_space<semaphore_mem>> -> memref<1x!tpu.dma_semaphore, #tpu.memory_space<semaphore_mem>>
    %dma_start3A_207 = tpu.memref_squeeze %dma_start3A_206 : memref<1x!tpu.dma_semaphore, #tpu.memory_space<semaphore_mem>> -> memref<!tpu.dma_semaphore, #tpu.memory_space<semaphore_mem>>
    tpu.enqueue_indirect_dma source(%dma_start3A_205 : memref<1000000x128xf32, #tpu.memory_space<hbm>>) target(%dma_start3A_202 : memref<16x128xf32, #tpu.memory_space<vmem>>) offsets(%get3A_198 : vector<16xi32>) semaphore(%dma_start3A_207 : memref<!tpu.dma_semaphore, #tpu.memory_space<semaphore_mem>>)
    %rem3A_208 = arith.constant 4 : i32
    %rem3A_209 = arith.constant 8 : i32
    %rem3A_210 = arith.remsi %rem3A_208, %rem3A_209 : i32
    %get3A_211 = arith.constant 200 : index
    %get3A_212 = tpu.vector_load %arg5[%get3A_211] {strides = array<i32>} : memref<25616xi32, #tpu.memory_space<vmem>>, vector<16xi32>,
    %get3A_213 = vector.shape_cast %get3A_212 : vector<16xi32> to vector<16xi32>
    %dma_start3A_214 = arith.constant 0 : i32
    %dma_start3A_215 = arith.constant 0 : i32
    %dma_start3A_216 = tpu.memref_slice %arg6[%rem3A_210, %dma_start3A_214, %dma_start3A_215] : memref<8x64x128xf32, #tpu.memory_space<vmem>> -> memref<1x16x128xf32, #tpu.memory_space<vmem>>
    %dma_start3A_217 = tpu.memref_squeeze %dma_start3A_216 : memref<1x16x128xf32, #tpu.memory_space<vmem>> -> memref<16x128xf32, #tpu.memory_space<vmem>>
    %dma_start3A_218 = arith.constant 0 : i32
    %dma_start3A_219 = arith.constant 0 : i32
    %dma_start3A_220 = tpu.memref_slice %arg3[%dma_start3A_218, %dma_start3A_219] : memref<1000000x128xf32, #tpu.memory_space<hbm>> -> memref<1000000x128xf32, #tpu.memory_space<hbm>>
    %dma_start3A_221 = tpu.memref_slice %arg8[%rem3A_210] : memref<8x!tpu.dma_semaphore, #tpu.memory_space<semaphore_mem>> -> memref<1x!tpu.dma_semaphore, #tpu.memory_space<semaphore_mem>>
    %dma_start3A_222 = tpu.memref_squeeze %dma_start3A_221 : memref<1x!tpu.dma_semaphore, #tpu.memory_space<semaphore_mem>> -> memref<!tpu.dma_semaphore, #tpu.memory_space<semaphore_mem>>
    tpu.enqueue_indirect_dma source(%dma_start3A_220 : memref<1000000x128xf32, #tpu.memory_space<hbm>>) target(%dma_start3A_217 : memref<16x128xf32, #tpu.memory_space<vmem>>) offsets(%get3A_213 : vector<16xi32>) semaphore(%dma_start3A_222 : memref<!tpu.dma_semaphore, #tpu.memory_space<semaphore_mem>>)
    %get3A_223 = arith.constant 216 : index
    %get3A_224 = tpu.vector_load %arg5[%get3A_223] {strides = array<i32>} : memref<25616xi32, #tpu.memory_space<vmem>>, vector<16xi32>,
    %get3A_225 = vector.shape_cast %get3A_224 : vector<16xi32> to vector<16xi32>
    %dma_start3A_226 = arith.constant 16 : i32
    %dma_start3A_227 = arith.constant 0 : i32
    %dma_start3A_228 = tpu.memref_slice %arg6[%rem3A_210, %dma_start3A_226, %dma_start3A_227] : memref<8x64x128xf32, #tpu.memory_space<vmem>> -> memref<1x16x128xf32, #tpu.memory_space<vmem>>
    %dma_start3A_229 = tpu.memref_squeeze %dma_start3A_228 : memref<1x16x128xf32, #tpu.memory_space<vmem>> -> memref<16x128xf32, #tpu.memory_space<vmem>>
    %dma_start3A_230 = arith.constant 0 : i32
    %dma_start3A_231 = arith.constant 0 : i32
    %dma_start3A_232 = tpu.memref_slice %arg3[%dma_start3A_230, %dma_start3A_231] : memref<1000000x128xf32, #tpu.memory_space<hbm>> -> memref<1000000x128xf32, #tpu.memory_space<hbm>>
    %dma_start3A_233 = tpu.memref_slice %arg8[%rem3A_210] : memref<8x!tpu.dma_semaphore, #tpu.memory_space<semaphore_mem>> -> memref<1x!tpu.dma_semaphore, #tpu.memory_space<semaphore_mem>>
    %dma_start3A_234 = tpu.memref_squeeze %dma_start3A_233 : memref<1x!tpu.dma_semaphore, #tpu.memory_space<semaphore_mem>> -> memref<!tpu.dma_semaphore, #tpu.memory_space<semaphore_mem>>
    tpu.enqueue_indirect_dma source(%dma_start3A_232 : memref<1000000x128xf32, #tpu.memory_space<hbm>>) target(%dma_start3A_229 : memref<16x128xf32, #tpu.memory_space<vmem>>) offsets(%get3A_225 : vector<16xi32>) semaphore(%dma_start3A_234 : memref<!tpu.dma_semaphore, #tpu.memory_space<semaphore_mem>>)
    %get3A_235 = arith.constant 232 : index
    %get3A_236 = tpu.vector_load %arg5[%get3A_235] {strides = array<i32>} : memref<25616xi32, #tpu.memory_space<vmem>>, vector<16xi32>,
    %get3A_237 = vector.shape_cast %get3A_236 : vector<16xi32> to vector<16xi32>
    %dma_start3A_238 = arith.constant 32 : i32
    %dma_start3A_239 = arith.constant 0 : i32
    %dma_start3A_240 = tpu.memref_slice %arg6[%rem3A_210, %dma_start3A_238, %dma_start3A_239] : memref<8x64x128xf32, #tpu.memory_space<vmem>> -> memref<1x16x128xf32, #tpu.memory_space<vmem>>
    %dma_start3A_241 = tpu.memref_squeeze %dma_start3A_240 : memref<1x16x128xf32, #tpu.memory_space<vmem>> -> memref<16x128xf32, #tpu.memory_space<vmem>>
    %dma_start3A_242 = arith.constant 0 : i32
    %dma_start3A_243 = arith.constant 0 : i32
    %dma_start3A_244 = tpu.memref_slice %arg3[%dma_start3A_242, %dma_start3A_243] : memref<1000000x128xf32, #tpu.memory_space<hbm>> -> memref<1000000x128xf32, #tpu.memory_space<hbm>>
    %dma_start3A_245 = tpu.memref_slice %arg8[%rem3A_210] : memref<8x!tpu.dma_semaphore, #tpu.memory_space<semaphore_mem>> -> memref<1x!tpu.dma_semaphore, #tpu.memory_space<semaphore_mem>>
    %dma_start3A_246 = tpu.memref_squeeze %dma_start3A_245 : memref<1x!tpu.dma_semaphore, #tpu.memory_space<semaphore_mem>> -> memref<!tpu.dma_semaphore, #tpu.memory_space<semaphore_mem>>
    tpu.enqueue_indirect_dma source(%dma_start3A_244 : memref<1000000x128xf32, #tpu.memory_space<hbm>>) target(%dma_start3A_241 : memref<16x128xf32, #tpu.memory_space<vmem>>) offsets(%get3A_237 : vector<16xi32>) semaphore(%dma_start3A_246 : memref<!tpu.dma_semaphore, #tpu.memory_space<semaphore_mem>>)
    %get3A_247 = arith.constant 248 : index
    %get3A_248 = tpu.vector_load %arg5[%get3A_247] {strides = array<i32>} : memref<25616xi32, #tpu.memory_space<vmem>>, vector<16xi32>,
    %get3A_249 = vector.shape_cast %get3A_248 : vector<16xi32> to vector<16xi32>
    %dma_start3A_250 = arith.constant 48 : i32
    %dma_start3A_251 = arith.constant 0 : i32
    %dma_start3A_252 = tpu.memref_slice %arg6[%rem3A_210, %dma_start3A_250, %dma_start3A_251] : memref<8x64x128xf32, #tpu.memory_space<vmem>> -> memref<1x16x128xf32, #tpu.memory_space<vmem>>
    %dma_start3A_253 = tpu.memref_squeeze %dma_start3A_252 : memref<1x16x128xf32, #tpu.memory_space<vmem>> -> memref<16x128xf32, #tpu.memory_space<vmem>>
    %dma_start3A_254 = arith.constant 0 : i32
    %dma_start3A_255 = arith.constant 0 : i32
    %dma_start3A_256 = tpu.memref_slice %arg3[%dma_start3A_254, %dma_start3A_255] : memref<1000000x128xf32, #tpu.memory_space<hbm>> -> memref<1000000x128xf32, #tpu.memory_space<hbm>>
    %dma_start3A_257 = tpu.memref_slice %arg8[%rem3A_210] : memref<8x!tpu.dma_semaphore, #tpu.memory_space<semaphore_mem>> -> memref<1x!tpu.dma_semaphore, #tpu.memory_space<semaphore_mem>>
    %dma_start3A_258 = tpu.memref_squeeze %dma_start3A_257 : memref<1x!tpu.dma_semaphore, #tpu.memory_space<semaphore_mem>> -> memref<!tpu.dma_semaphore, #tpu.memory_space<semaphore_mem>>
    tpu.enqueue_indirect_dma source(%dma_start3A_256 : memref<1000000x128xf32, #tpu.memory_space<hbm>>) target(%dma_start3A_253 : memref<16x128xf32, #tpu.memory_space<vmem>>) offsets(%get3A_249 : vector<16xi32>) semaphore(%dma_start3A_258 : memref<!tpu.dma_semaphore, #tpu.memory_space<semaphore_mem>>)
    %rem3A_259 = arith.constant 5 : i32
    %rem3A_260 = arith.constant 8 : i32
    %rem3A_261 = arith.remsi %rem3A_259, %rem3A_260 : i32
    %get3A_262 = arith.constant 250 : index
    %get3A_263 = tpu.vector_load %arg5[%get3A_262] {strides = array<i32>} : memref<25616xi32, #tpu.memory_space<vmem>>, vector<16xi32>,
    %get3A_264 = vector.shape_cast %get3A_263 : vector<16xi32> to vector<16xi32>
    %dma_start3A_265 = arith.constant 0 : i32
    %dma_start3A_266 = arith.constant 0 : i32
    %dma_start3A_267 = tpu.memref_slice %arg6[%rem3A_261, %dma_start3A_265, %dma_start3A_266] : memref<8x64x128xf32, #tpu.memory_space<vmem>> -> memref<1x16x128xf32, #tpu.memory_space<vmem>>
    %dma_start3A_268 = tpu.memref_squeeze %dma_start3A_267 : memref<1x16x128xf32, #tpu.memory_space<vmem>> -> memref<16x128xf32, #tpu.memory_space<vmem>>
    %dma_start3A_269 = arith.constant 0 : i32
    %dma_start3A_270 = arith.constant 0 : i32
    %dma_start3A_271 = tpu.memref_slice %arg3[%dma_start3A_269, %dma_start3A_270] : memref<1000000x128xf32, #tpu.memory_space<hbm>> -> memref<1000000x128xf32, #tpu.memory_space<hbm>>
    %dma_start3A_272 = tpu.memref_slice %arg8[%rem3A_261] : memref<8x!tpu.dma_semaphore, #tpu.memory_space<semaphore_mem>> -> memref<1x!tpu.dma_semaphore, #tpu.memory_space<semaphore_mem>>
    %dma_start3A_273 = tpu.memref_squeeze %dma_start3A_272 : memref<1x!tpu.dma_semaphore, #tpu.memory_space<semaphore_mem>> -> memref<!tpu.dma_semaphore, #tpu.memory_space<semaphore_mem>>
    tpu.enqueue_indirect_dma source(%dma_start3A_271 : memref<1000000x128xf32, #tpu.memory_space<hbm>>) target(%dma_start3A_268 : memref<16x128xf32, #tpu.memory_space<vmem>>) offsets(%get3A_264 : vector<16xi32>) semaphore(%dma_start3A_273 : memref<!tpu.dma_semaphore, #tpu.memory_space<semaphore_mem>>)
    %get3A_274 = arith.constant 266 : index
    %get3A_275 = tpu.vector_load %arg5[%get3A_274] {strides = array<i32>} : memref<25616xi32, #tpu.memory_space<vmem>>, vector<16xi32>,
    %get3A_276 = vector.shape_cast %get3A_275 : vector<16xi32> to vector<16xi32>
    %dma_start3A_277 = arith.constant 16 : i32
    %dma_start3A_278 = arith.constant 0 : i32
    %dma_start3A_279 = tpu.memref_slice %arg6[%rem3A_261, %dma_start3A_277, %dma_start3A_278] : memref<8x64x128xf32, #tpu.memory_space<vmem>> -> memref<1x16x128xf32, #tpu.memory_space<vmem>>
    %dma_start3A_280 = tpu.memref_squeeze %dma_start3A_279 : memref<1x16x128xf32, #tpu.memory_space<vmem>> -> memref<16x128xf32, #tpu.memory_space<vmem>>
    %dma_start3A_281 = arith.constant 0 : i32
    %dma_start3A_282 = arith.constant 0 : i32
    %dma_start3A_283 = tpu.memref_slice %arg3[%dma_start3A_281, %dma_start3A_282] : memref<1000000x128xf32, #tpu.memory_space<hbm>> -> memref<1000000x128xf32, #tpu.memory_space<hbm>>
    %dma_start3A_284 = tpu.memref_slice %arg8[%rem3A_261] : memref<8x!tpu.dma_semaphore, #tpu.memory_space<semaphore_mem>> -> memref<1x!tpu.dma_semaphore, #tpu.memory_space<semaphore_mem>>
    %dma_start3A_285 = tpu.memref_squeeze %dma_start3A_284 : memref<1x!tpu.dma_semaphore, #tpu.memory_space<semaphore_mem>> -> memref<!tpu.dma_semaphore, #tpu.memory_space<semaphore_mem>>
    tpu.enqueue_indirect_dma source(%dma_start3A_283 : memref<1000000x128xf32, #tpu.memory_space<hbm>>) target(%dma_start3A_280 : memref<16x128xf32, #tpu.memory_space<vmem>>) offsets(%get3A_276 : vector<16xi32>) semaphore(%dma_start3A_285 : memref<!tpu.dma_semaphore, #tpu.memory_space<semaphore_mem>>)
    %get3A_286 = arith.constant 282 : index
    %get3A_287 = tpu.vector_load %arg5[%get3A_286] {strides = array<i32>} : memref<25616xi32, #tpu.memory_space<vmem>>, vector<16xi32>,
    %get3A_288 = vector.shape_cast %get3A_287 : vector<16xi32> to vector<16xi32>
    %dma_start3A_289 = arith.constant 32 : i32
    %dma_start3A_290 = arith.constant 0 : i32
    %dma_start3A_291 = tpu.memref_slice %arg6[%rem3A_261, %dma_start3A_289, %dma_start3A_290] : memref<8x64x128xf32, #tpu.memory_space<vmem>> -> memref<1x16x128xf32, #tpu.memory_space<vmem>>
    %dma_start3A_292 = tpu.memref_squeeze %dma_start3A_291 : memref<1x16x128xf32, #tpu.memory_space<vmem>> -> memref<16x128xf32, #tpu.memory_space<vmem>>
    %dma_start3A_293 = arith.constant 0 : i32
    %dma_start3A_294 = arith.constant 0 : i32
    %dma_start3A_295 = tpu.memref_slice %arg3[%dma_start3A_293, %dma_start3A_294] : memref<1000000x128xf32, #tpu.memory_space<hbm>> -> memref<1000000x128xf32, #tpu.memory_space<hbm>>
    %dma_start3A_296 = tpu.memref_slice %arg8[%rem3A_261] : memref<8x!tpu.dma_semaphore, #tpu.memory_space<semaphore_mem>> -> memref<1x!tpu.dma_semaphore, #tpu.memory_space<semaphore_mem>>
    %dma_start3A_297 = tpu.memref_squeeze %dma_start3A_296 : memref<1x!tpu.dma_semaphore, #tpu.memory_space<semaphore_mem>> -> memref<!tpu.dma_semaphore, #tpu.memory_space<semaphore_mem>>
    tpu.enqueue_indirect_dma source(%dma_start3A_295 : memref<1000000x128xf32, #tpu.memory_space<hbm>>) target(%dma_start3A_292 : memref<16x128xf32, #tpu.memory_space<vmem>>) offsets(%get3A_288 : vector<16xi32>) semaphore(%dma_start3A_297 : memref<!tpu.dma_semaphore, #tpu.memory_space<semaphore_mem>>)
    %get3A_298 = arith.constant 298 : index
    %get3A_299 = tpu.vector_load %arg5[%get3A_298] {strides = array<i32>} : memref<25616xi32, #tpu.memory_space<vmem>>, vector<16xi32>,
    %get3A_300 = vector.shape_cast %get3A_299 : vector<16xi32> to vector<16xi32>
    %dma_start3A_301 = arith.constant 48 : i32
    %dma_start3A_302 = arith.constant 0 : i32
    %dma_start3A_303 = tpu.memref_slice %arg6[%rem3A_261, %dma_start3A_301, %dma_start3A_302] : memref<8x64x128xf32, #tpu.memory_space<vmem>> -> memref<1x16x128xf32, #tpu.memory_space<vmem>>
    %dma_start3A_304 = tpu.memref_squeeze %dma_start3A_303 : memref<1x16x128xf32, #tpu.memory_space<vmem>> -> memref<16x128xf32, #tpu.memory_space<vmem>>
    %dma_start3A_305 = arith.constant 0 : i32
    %dma_start3A_306 = arith.constant 0 : i32
    %dma_start3A_307 = tpu.memref_slice %arg3[%dma_start3A_305, %dma_start3A_306] : memref<1000000x128xf32, #tpu.memory_space<hbm>> -> memref<1000000x128xf32, #tpu.memory_space<hbm>>
    %dma_start3A_308 = tpu.memref_slice %arg8[%rem3A_261] : memref<8x!tpu.dma_semaphore, #tpu.memory_space<semaphore_mem>> -> memref<1x!tpu.dma_semaphore, #tpu.memory_space<semaphore_mem>>
    %dma_start3A_309 = tpu.memref_squeeze %dma_start3A_308 : memref<1x!tpu.dma_semaphore, #tpu.memory_space<semaphore_mem>> -> memref<!tpu.dma_semaphore, #tpu.memory_space<semaphore_mem>>
    tpu.enqueue_indirect_dma source(%dma_start3A_307 : memref<1000000x128xf32, #tpu.memory_space<hbm>>) target(%dma_start3A_304 : memref<16x128xf32, #tpu.memory_space<vmem>>) offsets(%get3A_300 : vector<16xi32>) semaphore(%dma_start3A_309 : memref<!tpu.dma_semaphore, #tpu.memory_space<semaphore_mem>>)
    %scan3A = arith.constant 0 : i32
    %scan3A_310 = arith.constant 0 : i32
    %scan3A_311 = arith.constant 512 : i32
    %scan3A_312 = arith.addi %scan3A_310, %scan3A_311 : i32
    %scan3A_313 = arith.constant 1 : i32
    scf.for %scan3A_414 = %scan3A_310 to %scan3A_312 step %scan3A_313  : i32 {
      %rem3A_415 = arith.constant 8 : i32
      %rem3A_416 = arith.remsi %scan3A_414, %rem3A_415 : i32
      %rem3A_417 = arith.constant 4 : i32
      %rem3A_418 = arith.remsi %scan3A_414, %rem3A_417 : i32
      %add3A_419 = arith.constant 6 : i32
      %add3A_420 = arith.addi %scan3A_414, %add3A_419 : i32
      %lt3A = arith.constant 512 : i32
      %lt3A_421 = arith.cmpi slt, %add3A_420, %lt3A : i32
      %convert_element_type3A = arith.extui %lt3A_421 : i1 to i32
      %cond3A = arith.constant 0 : i32
      %cond3A_422 = arith.cmpi ne, %convert_element_type3A, %cond3A : i32
      scf.if %cond3A_422 {
        %add3A_518 = arith.constant 6 : i32
        %add3A_519 = arith.addi %scan3A_414, %add3A_518 : i32
        %rem3A_520 = arith.constant 8 : i32
        %rem3A_521 = arith.remsi %add3A_519, %rem3A_520 : i32
        %mul3A_522 = arith.constant 50 : i32
        %mul3A_523 = arith.muli %add3A_519, %mul3A_522 : i32
        %add3A_524 = arith.constant 0 : i32
        %add3A_525 = arith.addi %mul3A_523, %add3A_524 : i32
        %get3A_526 = arith.index_cast %add3A_525 : i32 to index
        %get3A_527 = tpu.vector_load %arg5[%get3A_526] {strides = array<i32>} : memref<25616xi32, #tpu.memory_space<vmem>>, vector<16xi32>,
        %get3A_528 = vector.shape_cast %get3A_527 : vector<16xi32> to vector<16xi32>
        %dma_start3A_529 = arith.constant 0 : i32
        %dma_start3A_530 = arith.constant 0 : i32
        %dma_start3A_531 = tpu.memref_slice %arg6[%rem3A_521, %dma_start3A_529, %dma_start3A_530] : memref<8x64x128xf32, #tpu.memory_space<vmem>> -> memref<1x16x128xf32, #tpu.memory_space<vmem>>
        %dma_start3A_532 = tpu.memref_squeeze %dma_start3A_531 : memref<1x16x128xf32, #tpu.memory_space<vmem>> -> memref<16x128xf32, #tpu.memory_space<vmem>>
        %dma_start3A_533 = arith.constant 0 : i32
        %dma_start3A_534 = arith.constant 0 : i32
        %dma_start3A_535 = tpu.memref_slice %arg3[%dma_start3A_533, %dma_start3A_534] : memref<1000000x128xf32, #tpu.memory_space<hbm>> -> memref<1000000x128xf32, #tpu.memory_space<hbm>>
        %dma_start3A_536 = tpu.memref_slice %arg8[%rem3A_521] : memref<8x!tpu.dma_semaphore, #tpu.memory_space<semaphore_mem>> -> memref<1x!tpu.dma_semaphore, #tpu.memory_space<semaphore_mem>>
        %dma_start3A_537 = tpu.memref_squeeze %dma_start3A_536 : memref<1x!tpu.dma_semaphore, #tpu.memory_space<semaphore_mem>> -> memref<!tpu.dma_semaphore, #tpu.memory_space<semaphore_mem>>
        tpu.enqueue_indirect_dma source(%dma_start3A_535 : memref<1000000x128xf32, #tpu.memory_space<hbm>>) target(%dma_start3A_532 : memref<16x128xf32, #tpu.memory_space<vmem>>) offsets(%get3A_528 : vector<16xi32>) semaphore(%dma_start3A_537 : memref<!tpu.dma_semaphore, #tpu.memory_space<semaphore_mem>>)
        %mul3A_538 = arith.constant 50 : i32
        %mul3A_539 = arith.muli %add3A_519, %mul3A_538 : i32
        %add3A_540 = arith.constant 16 : i32
        %add3A_541 = arith.addi %mul3A_539, %add3A_540 : i32
        %get3A_542 = arith.index_cast %add3A_541 : i32 to index
        %get3A_543 = tpu.vector_load %arg5[%get3A_542] {strides = array<i32>} : memref<25616xi32, #tpu.memory_space<vmem>>, vector<16xi32>,
        %get3A_544 = vector.shape_cast %get3A_543 : vector<16xi32> to vector<16xi32>
        %dma_start3A_545 = arith.constant 16 : i32
        %dma_start3A_546 = arith.constant 0 : i32
        %dma_start3A_547 = tpu.memref_slice %arg6[%rem3A_521, %dma_start3A_545, %dma_start3A_546] : memref<8x64x128xf32, #tpu.memory_space<vmem>> -> memref<1x16x128xf32, #tpu.memory_space<vmem>>
        %dma_start3A_548 = tpu.memref_squeeze %dma_start3A_547 : memref<1x16x128xf32, #tpu.memory_space<vmem>> -> memref<16x128xf32, #tpu.memory_space<vmem>>
        %dma_start3A_549 = arith.constant 0 : i32
        %dma_start3A_550 = arith.constant 0 : i32
        %dma_start3A_551 = tpu.memref_slice %arg3[%dma_start3A_549, %dma_start3A_550] : memref<1000000x128xf32, #tpu.memory_space<hbm>> -> memref<1000000x128xf32, #tpu.memory_space<hbm>>
        %dma_start3A_552 = tpu.memref_slice %arg8[%rem3A_521] : memref<8x!tpu.dma_semaphore, #tpu.memory_space<semaphore_mem>> -> memref<1x!tpu.dma_semaphore, #tpu.memory_space<semaphore_mem>>
        %dma_start3A_553 = tpu.memref_squeeze %dma_start3A_552 : memref<1x!tpu.dma_semaphore, #tpu.memory_space<semaphore_mem>> -> memref<!tpu.dma_semaphore, #tpu.memory_space<semaphore_mem>>
        tpu.enqueue_indirect_dma source(%dma_start3A_551 : memref<1000000x128xf32, #tpu.memory_space<hbm>>) target(%dma_start3A_548 : memref<16x128xf32, #tpu.memory_space<vmem>>) offsets(%get3A_544 : vector<16xi32>) semaphore(%dma_start3A_553 : memref<!tpu.dma_semaphore, #tpu.memory_space<semaphore_mem>>)
        %mul3A_554 = arith.constant 50 : i32
        %mul3A_555 = arith.muli %add3A_519, %mul3A_554 : i32
        %add3A_556 = arith.constant 32 : i32
        %add3A_557 = arith.addi %mul3A_555, %add3A_556 : i32
        %get3A_558 = arith.index_cast %add3A_557 : i32 to index
        %get3A_559 = tpu.vector_load %arg5[%get3A_558] {strides = array<i32>} : memref<25616xi32, #tpu.memory_space<vmem>>, vector<16xi32>,
        %get3A_560 = vector.shape_cast %get3A_559 : vector<16xi32> to vector<16xi32>
        %dma_start3A_561 = arith.constant 32 : i32
        %dma_start3A_562 = arith.constant 0 : i32
        %dma_start3A_563 = tpu.memref_slice %arg6[%rem3A_521, %dma_start3A_561, %dma_start3A_562] : memref<8x64x128xf32, #tpu.memory_space<vmem>> -> memref<1x16x128xf32, #tpu.memory_space<vmem>>
        %dma_start3A_564 = tpu.memref_squeeze %dma_start3A_563 : memref<1x16x128xf32, #tpu.memory_space<vmem>> -> memref<16x128xf32, #tpu.memory_space<vmem>>
        %dma_start3A_565 = arith.constant 0 : i32
        %dma_start3A_566 = arith.constant 0 : i32
        %dma_start3A_567 = tpu.memref_slice %arg3[%dma_start3A_565, %dma_start3A_566] : memref<1000000x128xf32, #tpu.memory_space<hbm>> -> memref<1000000x128xf32, #tpu.memory_space<hbm>>
        %dma_start3A_568 = tpu.memref_slice %arg8[%rem3A_521] : memref<8x!tpu.dma_semaphore, #tpu.memory_space<semaphore_mem>> -> memref<1x!tpu.dma_semaphore, #tpu.memory_space<semaphore_mem>>
        %dma_start3A_569 = tpu.memref_squeeze %dma_start3A_568 : memref<1x!tpu.dma_semaphore, #tpu.memory_space<semaphore_mem>> -> memref<!tpu.dma_semaphore, #tpu.memory_space<semaphore_mem>>
        tpu.enqueue_indirect_dma source(%dma_start3A_567 : memref<1000000x128xf32, #tpu.memory_space<hbm>>) target(%dma_start3A_564 : memref<16x128xf32, #tpu.memory_space<vmem>>) offsets(%get3A_560 : vector<16xi32>) semaphore(%dma_start3A_569 : memref<!tpu.dma_semaphore, #tpu.memory_space<semaphore_mem>>)
        %mul3A_570 = arith.constant 50 : i32
        %mul3A_571 = arith.muli %add3A_519, %mul3A_570 : i32
        %add3A_572 = arith.constant 48 : i32
        %add3A_573 = arith.addi %mul3A_571, %add3A_572 : i32
        %get3A_574 = arith.index_cast %add3A_573 : i32 to index
        %get3A_575 = tpu.vector_load %arg5[%get3A_574] {strides = array<i32>} : memref<25616xi32, #tpu.memory_space<vmem>>, vector<16xi32>,
        %get3A_576 = vector.shape_cast %get3A_575 : vector<16xi32> to vector<16xi32>
        %dma_start3A_577 = arith.constant 48 : i32
        %dma_start3A_578 = arith.constant 0 : i32
        %dma_start3A_579 = tpu.memref_slice %arg6[%rem3A_521, %dma_start3A_577, %dma_start3A_578] : memref<8x64x128xf32, #tpu.memory_space<vmem>> -> memref<1x16x128xf32, #tpu.memory_space<vmem>>
        %dma_start3A_580 = tpu.memref_squeeze %dma_start3A_579 : memref<1x16x128xf32, #tpu.memory_space<vmem>> -> memref<16x128xf32, #tpu.memory_space<vmem>>
        %dma_start3A_581 = arith.constant 0 : i32
        %dma_start3A_582 = arith.constant 0 : i32
        %dma_start3A_583 = tpu.memref_slice %arg3[%dma_start3A_581, %dma_start3A_582] : memref<1000000x128xf32, #tpu.memory_space<hbm>> -> memref<1000000x128xf32, #tpu.memory_space<hbm>>
        %dma_start3A_584 = tpu.memref_slice %arg8[%rem3A_521] : memref<8x!tpu.dma_semaphore, #tpu.memory_space<semaphore_mem>> -> memref<1x!tpu.dma_semaphore, #tpu.memory_space<semaphore_mem>>
        %dma_start3A_585 = tpu.memref_squeeze %dma_start3A_584 : memref<1x!tpu.dma_semaphore, #tpu.memory_space<semaphore_mem>> -> memref<!tpu.dma_semaphore, #tpu.memory_space<semaphore_mem>>
        tpu.enqueue_indirect_dma source(%dma_start3A_583 : memref<1000000x128xf32, #tpu.memory_space<hbm>>) target(%dma_start3A_580 : memref<16x128xf32, #tpu.memory_space<vmem>>) offsets(%get3A_576 : vector<16xi32>) semaphore(%dma_start3A_585 : memref<!tpu.dma_semaphore, #tpu.memory_space<semaphore_mem>>)
      } else {
      }
      %rem3A_423 = arith.constant 8 : i32
      %rem3A_424 = arith.remsi %scan3A_414, %rem3A_423 : i32
      %mul3A_425 = arith.constant 50 : i32
      %mul3A_426 = arith.muli %scan3A_414, %mul3A_425 : i32
      %add3A_427 = arith.constant 0 : i32
      %add3A_428 = arith.addi %mul3A_426, %add3A_427 : i32
      %get3A_429 = arith.index_cast %add3A_428 : i32 to index
      %get3A_430 = tpu.vector_load %arg5[%get3A_429] {strides = array<i32>} : memref<25616xi32, #tpu.memory_space<vmem>>, vector<16xi32>,
      %get3A_431 = vector.shape_cast %get3A_430 : vector<16xi32> to vector<16xi32>
      %mul3A_432 = arith.constant 50 : i32
      %mul3A_433 = arith.muli %scan3A_414, %mul3A_432 : i32
      %add3A_434 = arith.constant 16 : i32
      %add3A_435 = arith.addi %mul3A_433, %add3A_434 : i32
      %get3A_436 = arith.index_cast %add3A_435 : i32 to index
      %get3A_437 = tpu.vector_load %arg5[%get3A_436] {strides = array<i32>} : memref<25616xi32, #tpu.memory_space<vmem>>, vector<16xi32>,
      %get3A_438 = vector.shape_cast %get3A_437 : vector<16xi32> to vector<16xi32>
      %mul3A_439 = arith.constant 50 : i32
      %mul3A_440 = arith.muli %scan3A_414, %mul3A_439 : i32
      %add3A_441 = arith.constant 32 : i32
      %add3A_442 = arith.addi %mul3A_440, %add3A_441 : i32
      %get3A_443 = arith.index_cast %add3A_442 : i32 to index
      %get3A_444 = tpu.vector_load %arg5[%get3A_443] {strides = array<i32>} : memref<25616xi32, #tpu.memory_space<vmem>>, vector<16xi32>,
      %get3A_445 = vector.shape_cast %get3A_444 : vector<16xi32> to vector<16xi32>
      %mul3A_446 = arith.constant 50 : i32
      %mul3A_447 = arith.muli %scan3A_414, %mul3A_446 : i32
      %add3A_448 = arith.constant 48 : i32
      %add3A_449 = arith.addi %mul3A_447, %add3A_448 : i32
      %get3A_450 = arith.index_cast %add3A_449 : i32 to index
      %get3A_451 = tpu.vector_load %arg5[%get3A_450] {strides = array<i32>} : memref<25616xi32, #tpu.memory_space<vmem>>, vector<16xi32>,
      %get3A_452 = vector.shape_cast %get3A_451 : vector<16xi32> to vector<16xi32>
      %dma_wait3A_453 = arith.constant 0 : i32
      %dma_wait3A_454 = arith.constant 0 : i32
      %dma_wait3A_455 = tpu.memref_slice %arg6[%rem3A_424, %dma_wait3A_453, %dma_wait3A_454] : memref<8x64x128xf32, #tpu.memory_space<vmem>> -> memref<1x16x128xf32, #tpu.memory_space<vmem>>
      %dma_wait3A_456 = tpu.memref_squeeze %dma_wait3A_455 : memref<1x16x128xf32, #tpu.memory_space<vmem>> -> memref<16x128xf32, #tpu.memory_space<vmem>>
      %dma_wait3A_457 = arith.constant 0 : i32
      %dma_wait3A_458 = arith.constant 0 : i32
      %dma_wait3A_459 = tpu.memref_slice %arg3[%dma_wait3A_457, %dma_wait3A_458] : memref<1000000x128xf32, #tpu.memory_space<hbm>> -> memref<1000000x128xf32, #tpu.memory_space<hbm>>
      %dma_wait3A_460 = tpu.memref_slice %arg8[%rem3A_424] : memref<8x!tpu.dma_semaphore, #tpu.memory_space<semaphore_mem>> -> memref<1x!tpu.dma_semaphore, #tpu.memory_space<semaphore_mem>>
      %dma_wait3A_461 = tpu.memref_squeeze %dma_wait3A_460 : memref<1x!tpu.dma_semaphore, #tpu.memory_space<semaphore_mem>> -> memref<!tpu.dma_semaphore, #tpu.memory_space<semaphore_mem>>
      tpu.wait_indirect_dma semaphore(%dma_wait3A_461 : memref<!tpu.dma_semaphore, #tpu.memory_space<semaphore_mem>>) src(%dma_wait3A_459 : memref<1000000x128xf32, #tpu.memory_space<hbm>>) dst(%dma_wait3A_456 : memref<16x128xf32, #tpu.memory_space<vmem>>)
      %dma_wait3A_462 = arith.constant 16 : i32
      %dma_wait3A_463 = arith.constant 0 : i32
      %dma_wait3A_464 = tpu.memref_slice %arg6[%rem3A_424, %dma_wait3A_462, %dma_wait3A_463] : memref<8x64x128xf32, #tpu.memory_space<vmem>> -> memref<1x16x128xf32, #tpu.memory_space<vmem>>
      %dma_wait3A_465 = tpu.memref_squeeze %dma_wait3A_464 : memref<1x16x128xf32, #tpu.memory_space<vmem>> -> memref<16x128xf32, #tpu.memory_space<vmem>>
      %dma_wait3A_466 = arith.constant 0 : i32
      %dma_wait3A_467 = arith.constant 0 : i32
      %dma_wait3A_468 = tpu.memref_slice %arg3[%dma_wait3A_466, %dma_wait3A_467] : memref<1000000x128xf32, #tpu.memory_space<hbm>> -> memref<1000000x128xf32, #tpu.memory_space<hbm>>
      %dma_wait3A_469 = tpu.memref_slice %arg8[%rem3A_424] : memref<8x!tpu.dma_semaphore, #tpu.memory_space<semaphore_mem>> -> memref<1x!tpu.dma_semaphore, #tpu.memory_space<semaphore_mem>>
      %dma_wait3A_470 = tpu.memref_squeeze %dma_wait3A_469 : memref<1x!tpu.dma_semaphore, #tpu.memory_space<semaphore_mem>> -> memref<!tpu.dma_semaphore, #tpu.memory_space<semaphore_mem>>
      tpu.wait_indirect_dma semaphore(%dma_wait3A_470 : memref<!tpu.dma_semaphore, #tpu.memory_space<semaphore_mem>>) src(%dma_wait3A_468 : memref<1000000x128xf32, #tpu.memory_space<hbm>>) dst(%dma_wait3A_465 : memref<16x128xf32, #tpu.memory_space<vmem>>)
      %dma_wait3A_471 = arith.constant 32 : i32
      %dma_wait3A_472 = arith.constant 0 : i32
      %dma_wait3A_473 = tpu.memref_slice %arg6[%rem3A_424, %dma_wait3A_471, %dma_wait3A_472] : memref<8x64x128xf32, #tpu.memory_space<vmem>> -> memref<1x16x128xf32, #tpu.memory_space<vmem>>
      %dma_wait3A_474 = tpu.memref_squeeze %dma_wait3A_473 : memref<1x16x128xf32, #tpu.memory_space<vmem>> -> memref<16x128xf32, #tpu.memory_space<vmem>>
      %dma_wait3A_475 = arith.constant 0 : i32
      %dma_wait3A_476 = arith.constant 0 : i32
      %dma_wait3A_477 = tpu.memref_slice %arg3[%dma_wait3A_475, %dma_wait3A_476] : memref<1000000x128xf32, #tpu.memory_space<hbm>> -> memref<1000000x128xf32, #tpu.memory_space<hbm>>
      %dma_wait3A_478 = tpu.memref_slice %arg8[%rem3A_424] : memref<8x!tpu.dma_semaphore, #tpu.memory_space<semaphore_mem>> -> memref<1x!tpu.dma_semaphore, #tpu.memory_space<semaphore_mem>>
      %dma_wait3A_479 = tpu.memref_squeeze %dma_wait3A_478 : memref<1x!tpu.dma_semaphore, #tpu.memory_space<semaphore_mem>> -> memref<!tpu.dma_semaphore, #tpu.memory_space<semaphore_mem>>
      tpu.wait_indirect_dma semaphore(%dma_wait3A_479 : memref<!tpu.dma_semaphore, #tpu.memory_space<semaphore_mem>>) src(%dma_wait3A_477 : memref<1000000x128xf32, #tpu.memory_space<hbm>>) dst(%dma_wait3A_474 : memref<16x128xf32, #tpu.memory_space<vmem>>)
      %dma_wait3A_480 = arith.constant 48 : i32
      %dma_wait3A_481 = arith.constant 0 : i32
      %dma_wait3A_482 = tpu.memref_slice %arg6[%rem3A_424, %dma_wait3A_480, %dma_wait3A_481] : memref<8x64x128xf32, #tpu.memory_space<vmem>> -> memref<1x16x128xf32, #tpu.memory_space<vmem>>
      %dma_wait3A_483 = tpu.memref_squeeze %dma_wait3A_482 : memref<1x16x128xf32, #tpu.memory_space<vmem>> -> memref<16x128xf32, #tpu.memory_space<vmem>>
      %dma_wait3A_484 = arith.constant 0 : i32
      %dma_wait3A_485 = arith.constant 0 : i32
      %dma_wait3A_486 = tpu.memref_slice %arg3[%dma_wait3A_484, %dma_wait3A_485] : memref<1000000x128xf32, #tpu.memory_space<hbm>> -> memref<1000000x128xf32, #tpu.memory_space<hbm>>
      %dma_wait3A_487 = tpu.memref_slice %arg8[%rem3A_424] : memref<8x!tpu.dma_semaphore, #tpu.memory_space<semaphore_mem>> -> memref<1x!tpu.dma_semaphore, #tpu.memory_space<semaphore_mem>>
      %dma_wait3A_488 = tpu.memref_squeeze %dma_wait3A_487 : memref<1x!tpu.dma_semaphore, #tpu.memory_space<semaphore_mem>> -> memref<!tpu.dma_semaphore, #tpu.memory_space<semaphore_mem>>
      tpu.wait_indirect_dma semaphore(%dma_wait3A_488 : memref<!tpu.dma_semaphore, #tpu.memory_space<semaphore_mem>>) src(%dma_wait3A_486 : memref<1000000x128xf32, #tpu.memory_space<hbm>>) dst(%dma_wait3A_483 : memref<16x128xf32, #tpu.memory_space<vmem>>)
      %ge3A = arith.constant 4 : i32
      %ge3A_489 = arith.cmpi sge, %scan3A_414, %ge3A : i32
      %convert_element_type3A_490 = arith.extui %ge3A_489 : i1 to i32
      %cond3A_491 = arith.constant 0 : i32
      %cond3A_492 = arith.cmpi ne, %convert_element_type3A_490, %cond3A_491 : i32
      scf.if %cond3A_492 {
        %sub3A = arith.constant 4 : i32
        %sub3A_518 = arith.subi %scan3A_414, %sub3A : i32
        %rem3A_519 = arith.constant 4 : i32
        %rem3A_520 = arith.remsi %sub3A_518, %rem3A_519 : i32
        %mul3A_521 = arith.constant 512 : i32
        %mul3A_522 = arith.muli %add3A, %mul3A_521 : i32
        %add3A_523 = arith.addi %mul3A_522, %sub3A_518 : i32
        %dma_wait3A_524 = arith.constant 0 : i32
        %dma_wait3A_525 = arith.constant 0 : i32
        %dma_wait3A_526 = tpu.memref_slice %arg7[%rem3A_520, %dma_wait3A_524, %dma_wait3A_525] : memref<4x50x64xf32, #tpu.memory_space<vmem>> -> memref<1x50x64xf32, #tpu.memory_space<vmem>>
        %dma_wait3A_527 = tpu.memref_squeeze %dma_wait3A_526 : memref<1x50x64xf32, #tpu.memory_space<vmem>> -> memref<50x64xf32, #tpu.memory_space<vmem>>
        %dma_wait3A_528 = arith.constant 0 : i32
        %dma_wait3A_529 = arith.constant 0 : i32
        %dma_wait3A_530 = tpu.memref_slice %arg4[%add3A_523, %dma_wait3A_528, %dma_wait3A_529] : memref<16384x50x64xf32, #tpu.memory_space<hbm>> -> memref<1x50x64xf32, #tpu.memory_space<hbm>>
        %dma_wait3A_531 = tpu.memref_squeeze %dma_wait3A_530 : memref<1x50x64xf32, #tpu.memory_space<hbm>> -> memref<50x64xf32, #tpu.memory_space<hbm>>
        %dma_wait3A_532 = tpu.memref_slice %arg9[%rem3A_520] : memref<4x!tpu.dma_semaphore, #tpu.memory_space<semaphore_mem>> -> memref<1x!tpu.dma_semaphore, #tpu.memory_space<semaphore_mem>>
        %dma_wait3A_533 = tpu.memref_squeeze %dma_wait3A_532 : memref<1x!tpu.dma_semaphore, #tpu.memory_space<semaphore_mem>> -> memref<!tpu.dma_semaphore, #tpu.memory_space<semaphore_mem>>
        %dma_wait3A_534 = arith.constant 0 : i32
        %dma_wait3A_535 = arith.constant 0 : i32
        %dma_wait3A_536 = tpu.memref_slice %arg4[%add3A_523, %dma_wait3A_534, %dma_wait3A_535] : memref<16384x50x64xf32, #tpu.memory_space<hbm>> -> memref<1x50x64xf32, #tpu.memory_space<hbm>>
        %dma_wait3A_537 = tpu.memref_squeeze %dma_wait3A_536 : memref<1x50x64xf32, #tpu.memory_space<hbm>> -> memref<50x64xf32, #tpu.memory_space<hbm>>
        %dma_wait3A_538 = arith.constant 0 : i32
        %dma_wait3A_539 = arith.constant 0 : i32
        %dma_wait3A_540 = tpu.memref_slice %arg7[%rem3A_520, %dma_wait3A_538, %dma_wait3A_539] : memref<4x50x64xf32, #tpu.memory_space<vmem>> -> memref<1x50x64xf32, #tpu.memory_space<vmem>>
        %dma_wait3A_541 = tpu.memref_squeeze %dma_wait3A_540 : memref<1x50x64xf32, #tpu.memory_space<vmem>> -> memref<50x64xf32, #tpu.memory_space<vmem>>
        tpu.wait_dma2 semaphore(%dma_wait3A_533 : memref<!tpu.dma_semaphore, #tpu.memory_space<semaphore_mem>>) src(%dma_wait3A_541 : memref<50x64xf32, #tpu.memory_space<vmem>>) dst(%dma_wait3A_537 : memref<50x64xf32, #tpu.memory_space<hbm>>)
      } else {
      }
      %parallel_loop3A = arith.constant 0 : i32
      %parallel_loop3A_493 = arith.constant 50 : i32
      %parallel_loop3A_494 = arith.constant 1 : i32
      scf.for %parallel_loop3A_518 = %parallel_loop3A to %parallel_loop3A_493 step %parallel_loop3A_494  : i32 {
        %parallel_loop3A_519 = arith.index_cast %rem3A_416 : i32 to index
        %parallel_loop3A_520 = arith.index_cast %parallel_loop3A_518 : i32 to index
        %parallel_loop3A_521 = arith.constant 0 : index
        %parallel_loop3A_522 = tpu.vector_load %arg6[%parallel_loop3A_519, %parallel_loop3A_520, %parallel_loop3A_521] {strides = array<i32>} : memref<8x64x128xf32, #tpu.memory_space<vmem>>, vector<1x1x16xf32>,
        %parallel_loop3A_523 = vector.shape_cast %parallel_loop3A_522 : vector<1x1x16xf32> to vector<16xf32>
        %parallel_loop3A_524 = arith.constant 8.000000e+00 : f32
        %parallel_loop3A_525 = vector.broadcast %parallel_loop3A_524 : f32 to vector<16xf32>
        %parallel_loop3A_526 = arith.mulf %parallel_loop3A_523, %parallel_loop3A_525 : vector<16xf32>
        %parallel_loop3A_527 = arith.index_cast %rem3A_418 : i32 to index
        %parallel_loop3A_528 = arith.index_cast %parallel_loop3A_518 : i32 to index
        %parallel_loop3A_529 = arith.constant 0 : index
        %parallel_loop3A_530 = tpu.vector_load %arg7[%parallel_loop3A_527, %parallel_loop3A_528, %parallel_loop3A_529] {strides = array<i32>} : memref<4x50x64xf32, #tpu.memory_space<vmem>>, vector<1x1x16xf32>,
        %parallel_loop3A_531 = vector.shape_cast %parallel_loop3A_530 : vector<1x1x16xf32> to vector<16xf32>
        %parallel_loop3A_532 = vector.shape_cast %parallel_loop3A_526 : vector<16xf32> to vector<1x1x16xf32>
        tpu.vector_store %arg7[%parallel_loop3A_527, %parallel_loop3A_528, %parallel_loop3A_529], %parallel_loop3A_532 {strides = array<i32>} : memref<4x50x64xf32, #tpu.memory_space<vmem>>, vector<1x1x16xf32>,
        %parallel_loop3A_533 = arith.index_cast %rem3A_416 : i32 to index
        %parallel_loop3A_534 = arith.index_cast %parallel_loop3A_518 : i32 to index
        %parallel_loop3A_535 = arith.constant 16 : index
        %parallel_loop3A_536 = tpu.vector_load %arg6[%parallel_loop3A_533, %parallel_loop3A_534, %parallel_loop3A_535] {strides = array<i32>} : memref<8x64x128xf32, #tpu.memory_space<vmem>>, vector<1x1x16xf32>,
        %parallel_loop3A_537 = vector.shape_cast %parallel_loop3A_536 : vector<1x1x16xf32> to vector<16xf32>
        %parallel_loop3A_538 = arith.constant 8.000000e+00 : f32
        %parallel_loop3A_539 = vector.broadcast %parallel_loop3A_538 : f32 to vector<16xf32>
        %parallel_loop3A_540 = arith.mulf %parallel_loop3A_537, %parallel_loop3A_539 : vector<16xf32>
        %parallel_loop3A_541 = arith.index_cast %rem3A_418 : i32 to index
        %parallel_loop3A_542 = arith.index_cast %parallel_loop3A_518 : i32 to index
        %parallel_loop3A_543 = arith.constant 16 : index
        %parallel_loop3A_544 = tpu.vector_load %arg7[%parallel_loop3A_541, %parallel_loop3A_542, %parallel_loop3A_543] {strides = array<i32>} : memref<4x50x64xf32, #tpu.memory_space<vmem>>, vector<1x1x16xf32>,
        %parallel_loop3A_545 = vector.shape_cast %parallel_loop3A_544 : vector<1x1x16xf32> to vector<16xf32>
        %parallel_loop3A_546 = vector.shape_cast %parallel_loop3A_540 : vector<16xf32> to vector<1x1x16xf32>
        tpu.vector_store %arg7[%parallel_loop3A_541, %parallel_loop3A_542, %parallel_loop3A_543], %parallel_loop3A_546 {strides = array<i32>} : memref<4x50x64xf32, #tpu.memory_space<vmem>>, vector<1x1x16xf32>,
        %parallel_loop3A_547 = arith.index_cast %rem3A_416 : i32 to index
        %parallel_loop3A_548 = arith.index_cast %parallel_loop3A_518 : i32 to index
        %parallel_loop3A_549 = arith.constant 32 : index
        %parallel_loop3A_550 = tpu.vector_load %arg6[%parallel_loop3A_547, %parallel_loop3A_548, %parallel_loop3A_549] {strides = array<i32>} : memref<8x64x128xf32, #tpu.memory_space<vmem>>, vector<1x1x16xf32>,
        %parallel_loop3A_551 = vector.shape_cast %parallel_loop3A_550 : vector<1x1x16xf32> to vector<16xf32>
        %parallel_loop3A_552 = arith.constant 8.000000e+00 : f32
        %parallel_loop3A_553 = vector.broadcast %parallel_loop3A_552 : f32 to vector<16xf32>
        %parallel_loop3A_554 = arith.mulf %parallel_loop3A_551, %parallel_loop3A_553 : vector<16xf32>
        %parallel_loop3A_555 = arith.index_cast %rem3A_418 : i32 to index
        %parallel_loop3A_556 = arith.index_cast %parallel_loop3A_518 : i32 to index
        %parallel_loop3A_557 = arith.constant 32 : index
        %parallel_loop3A_558 = tpu.vector_load %arg7[%parallel_loop3A_555, %parallel_loop3A_556, %parallel_loop3A_557] {strides = array<i32>} : memref<4x50x64xf32, #tpu.memory_space<vmem>>, vector<1x1x16xf32>,
        %parallel_loop3A_559 = vector.shape_cast %parallel_loop3A_558 : vector<1x1x16xf32> to vector<16xf32>
        %parallel_loop3A_560 = vector.shape_cast %parallel_loop3A_554 : vector<16xf32> to vector<1x1x16xf32>
        tpu.vector_store %arg7[%parallel_loop3A_555, %parallel_loop3A_556, %parallel_loop3A_557], %parallel_loop3A_560 {strides = array<i32>} : memref<4x50x64xf32, #tpu.memory_space<vmem>>, vector<1x1x16xf32>,
        %parallel_loop3A_561 = arith.index_cast %rem3A_416 : i32 to index
        %parallel_loop3A_562 = arith.index_cast %parallel_loop3A_518 : i32 to index
        %parallel_loop3A_563 = arith.constant 48 : index
        %parallel_loop3A_564 = tpu.vector_load %arg6[%parallel_loop3A_561, %parallel_loop3A_562, %parallel_loop3A_563] {strides = array<i32>} : memref<8x64x128xf32, #tpu.memory_space<vmem>>, vector<1x1x16xf32>,
        %parallel_loop3A_565 = vector.shape_cast %parallel_loop3A_564 : vector<1x1x16xf32> to vector<16xf32>
        %parallel_loop3A_566 = arith.constant 8.000000e+00 : f32
        %parallel_loop3A_567 = vector.broadcast %parallel_loop3A_566 : f32 to vector<16xf32>
        %parallel_loop3A_568 = arith.mulf %parallel_loop3A_565, %parallel_loop3A_567 : vector<16xf32>
        %parallel_loop3A_569 = arith.index_cast %rem3A_418 : i32 to index
        %parallel_loop3A_570 = arith.index_cast %parallel_loop3A_518 : i32 to index
        %parallel_loop3A_571 = arith.constant 48 : index
        %parallel_loop3A_572 = tpu.vector_load %arg7[%parallel_loop3A_569, %parallel_loop3A_570, %parallel_loop3A_571] {strides = array<i32>} : memref<4x50x64xf32, #tpu.memory_space<vmem>>, vector<1x1x16xf32>,
        %parallel_loop3A_573 = vector.shape_cast %parallel_loop3A_572 : vector<1x1x16xf32> to vector<16xf32>
        %parallel_loop3A_574 = vector.shape_cast %parallel_loop3A_568 : vector<16xf32> to vector<1x1x16xf32>
        tpu.vector_store %arg7[%parallel_loop3A_569, %parallel_loop3A_570, %parallel_loop3A_571], %parallel_loop3A_574 {strides = array<i32>} : memref<4x50x64xf32, #tpu.memory_space<vmem>>, vector<1x1x16xf32>,
      } {sc.loop_unroll_factor = 8 : i64, sc.parallel_access}
      %rem3A_495 = arith.constant 4 : i32
      %rem3A_496 = arith.remsi %scan3A_414, %rem3A_495 : i32
      %mul3A_497 = arith.constant 512 : i32
      %mul3A_498 = arith.muli %add3A, %mul3A_497 : i32
      %add3A_499 = arith.addi %mul3A_498, %scan3A_414 : i32
      %dma_start3A_500 = arith.constant 0 : i32
      %dma_start3A_501 = arith.constant 0 : i32
      %dma_start3A_502 = tpu.memref_slice %arg7[%rem3A_496, %dma_start3A_500, %dma_start3A_501] : memref<4x50x64xf32, #tpu.memory_space<vmem>> -> memref<1x50x64xf32, #tpu.memory_space<vmem>>
      %dma_start3A_503 = tpu.memref_squeeze %dma_start3A_502 : memref<1x50x64xf32, #tpu.memory_space<vmem>> -> memref<50x64xf32, #tpu.memory_space<vmem>>
      %dma_start3A_504 = arith.constant 0 : i32
      %dma_start3A_505 = arith.constant 0 : i32
      %dma_start3A_506 = tpu.memref_slice %arg4[%add3A_499, %dma_start3A_504, %dma_start3A_505] : memref<16384x50x64xf32, #tpu.memory_space<hbm>> -> memref<1x50x64xf32, #tpu.memory_space<hbm>>
      %dma_start3A_507 = tpu.memref_squeeze %dma_start3A_506 : memref<1x50x64xf32, #tpu.memory_space<hbm>> -> memref<50x64xf32, #tpu.memory_space<hbm>>
      %dma_start3A_508 = tpu.memref_slice %arg9[%rem3A_496] : memref<4x!tpu.dma_semaphore, #tpu.memory_space<semaphore_mem>> -> memref<1x!tpu.dma_semaphore, #tpu.memory_space<semaphore_mem>>
      %dma_start3A_509 = tpu.memref_squeeze %dma_start3A_508 : memref<1x!tpu.dma_semaphore, #tpu.memory_space<semaphore_mem>> -> memref<!tpu.dma_semaphore, #tpu.memory_space<semaphore_mem>>
      %dma_start3A_510 = arith.constant 0 : i32
      %dma_start3A_511 = arith.constant 0 : i32
      %dma_start3A_512 = tpu.memref_slice %arg4[%add3A_499, %dma_start3A_510, %dma_start3A_511] : memref<16384x50x64xf32, #tpu.memory_space<hbm>> -> memref<1x50x64xf32, #tpu.memory_space<hbm>>
      %dma_start3A_513 = tpu.memref_squeeze %dma_start3A_512 : memref<1x50x64xf32, #tpu.memory_space<hbm>> -> memref<50x64xf32, #tpu.memory_space<hbm>>
      %dma_start3A_514 = arith.constant 0 : i32
      %dma_start3A_515 = arith.constant 0 : i32
      %dma_start3A_516 = tpu.memref_slice %arg7[%rem3A_496, %dma_start3A_514, %dma_start3A_515] : memref<4x50x64xf32, #tpu.memory_space<vmem>> -> memref<1x50x64xf32, #tpu.memory_space<vmem>>
      %dma_start3A_517 = tpu.memref_squeeze %dma_start3A_516 : memref<1x50x64xf32, #tpu.memory_space<vmem>> -> memref<50x64xf32, #tpu.memory_space<vmem>>
      tpu.enqueue_dma source(%dma_start3A_517 : memref<50x64xf32, #tpu.memory_space<vmem>>) target(%dma_start3A_513 : memref<50x64xf32, #tpu.memory_space<hbm>>) target_semaphore(%dma_start3A_509 : memref<!tpu.dma_semaphore, #tpu.memory_space<semaphore_mem>>)
    }
    %scan3A_314 = arith.constant 512 : i32
    %rem3A_315 = arith.constant 508 : i32
    %rem3A_316 = arith.constant 4 : i32
    %rem3A_317 = arith.remsi %rem3A_315, %rem3A_316 : i32
    %mul3A_318 = arith.constant 512 : i32
    %mul3A_319 = arith.muli %add3A, %mul3A_318 : i32
    %add3A_320 = arith.constant 508 : i32
    %add3A_321 = arith.addi %mul3A_319, %add3A_320 : i32
    %dma_wait3A = arith.constant 0 : i32
    %dma_wait3A_322 = arith.constant 0 : i32
    %dma_wait3A_323 = tpu.memref_slice %arg7[%rem3A_317, %dma_wait3A, %dma_wait3A_322] : memref<4x50x64xf32, #tpu.memory_space<vmem>> -> memref<1x50x64xf32, #tpu.memory_space<vmem>>
    %dma_wait3A_324 = tpu.memref_squeeze %dma_wait3A_323 : memref<1x50x64xf32, #tpu.memory_space<vmem>> -> memref<50x64xf32, #tpu.memory_space<vmem>>
    %dma_wait3A_325 = arith.constant 0 : i32
    %dma_wait3A_326 = arith.constant 0 : i32
    %dma_wait3A_327 = tpu.memref_slice %arg4[%add3A_321, %dma_wait3A_325, %dma_wait3A_326] : memref<16384x50x64xf32, #tpu.memory_space<hbm>> -> memref<1x50x64xf32, #tpu.memory_space<hbm>>
    %dma_wait3A_328 = tpu.memref_squeeze %dma_wait3A_327 : memref<1x50x64xf32, #tpu.memory_space<hbm>> -> memref<50x64xf32, #tpu.memory_space<hbm>>
    %dma_wait3A_329 = tpu.memref_slice %arg9[%rem3A_317] : memref<4x!tpu.dma_semaphore, #tpu.memory_space<semaphore_mem>> -> memref<1x!tpu.dma_semaphore, #tpu.memory_space<semaphore_mem>>
    %dma_wait3A_330 = tpu.memref_squeeze %dma_wait3A_329 : memref<1x!tpu.dma_semaphore, #tpu.memory_space<semaphore_mem>> -> memref<!tpu.dma_semaphore, #tpu.memory_space<semaphore_mem>>
    %dma_wait3A_331 = arith.constant 0 : i32
    %dma_wait3A_332 = arith.constant 0 : i32
    %dma_wait3A_333 = tpu.memref_slice %arg4[%add3A_321, %dma_wait3A_331, %dma_wait3A_332] : memref<16384x50x64xf32, #tpu.memory_space<hbm>> -> memref<1x50x64xf32, #tpu.memory_space<hbm>>
    %dma_wait3A_334 = tpu.memref_squeeze %dma_wait3A_333 : memref<1x50x64xf32, #tpu.memory_space<hbm>> -> memref<50x64xf32, #tpu.memory_space<hbm>>
    %dma_wait3A_335 = arith.constant 0 : i32
    %dma_wait3A_336 = arith.constant 0 : i32
    %dma_wait3A_337 = tpu.memref_slice %arg7[%rem3A_317, %dma_wait3A_335, %dma_wait3A_336] : memref<4x50x64xf32, #tpu.memory_space<vmem>> -> memref<1x50x64xf32, #tpu.memory_space<vmem>>
    %dma_wait3A_338 = tpu.memref_squeeze %dma_wait3A_337 : memref<1x50x64xf32, #tpu.memory_space<vmem>> -> memref<50x64xf32, #tpu.memory_space<vmem>>
    tpu.wait_dma2 semaphore(%dma_wait3A_330 : memref<!tpu.dma_semaphore, #tpu.memory_space<semaphore_mem>>) src(%dma_wait3A_338 : memref<50x64xf32, #tpu.memory_space<vmem>>) dst(%dma_wait3A_334 : memref<50x64xf32, #tpu.memory_space<hbm>>)
    %rem3A_339 = arith.constant 509 : i32
    %rem3A_340 = arith.constant 4 : i32
    %rem3A_341 = arith.remsi %rem3A_339, %rem3A_340 : i32
    %mul3A_342 = arith.constant 512 : i32
    %mul3A_343 = arith.muli %add3A, %mul3A_342 : i32
    %add3A_344 = arith.constant 509 : i32
    %add3A_345 = arith.addi %mul3A_343, %add3A_344 : i32
    %dma_wait3A_346 = arith.constant 0 : i32
    %dma_wait3A_347 = arith.constant 0 : i32
    %dma_wait3A_348 = tpu.memref_slice %arg7[%rem3A_341, %dma_wait3A_346, %dma_wait3A_347] : memref<4x50x64xf32, #tpu.memory_space<vmem>> -> memref<1x50x64xf32, #tpu.memory_space<vmem>>
    %dma_wait3A_349 = tpu.memref_squeeze %dma_wait3A_348 : memref<1x50x64xf32, #tpu.memory_space<vmem>> -> memref<50x64xf32, #tpu.memory_space<vmem>>
    %dma_wait3A_350 = arith.constant 0 : i32
    %dma_wait3A_351 = arith.constant 0 : i32
    %dma_wait3A_352 = tpu.memref_slice %arg4[%add3A_345, %dma_wait3A_350, %dma_wait3A_351] : memref<16384x50x64xf32, #tpu.memory_space<hbm>> -> memref<1x50x64xf32, #tpu.memory_space<hbm>>
    %dma_wait3A_353 = tpu.memref_squeeze %dma_wait3A_352 : memref<1x50x64xf32, #tpu.memory_space<hbm>> -> memref<50x64xf32, #tpu.memory_space<hbm>>
    %dma_wait3A_354 = tpu.memref_slice %arg9[%rem3A_341] : memref<4x!tpu.dma_semaphore, #tpu.memory_space<semaphore_mem>> -> memref<1x!tpu.dma_semaphore, #tpu.memory_space<semaphore_mem>>
    %dma_wait3A_355 = tpu.memref_squeeze %dma_wait3A_354 : memref<1x!tpu.dma_semaphore, #tpu.memory_space<semaphore_mem>> -> memref<!tpu.dma_semaphore, #tpu.memory_space<semaphore_mem>>
    %dma_wait3A_356 = arith.constant 0 : i32
    %dma_wait3A_357 = arith.constant 0 : i32
    %dma_wait3A_358 = tpu.memref_slice %arg4[%add3A_345, %dma_wait3A_356, %dma_wait3A_357] : memref<16384x50x64xf32, #tpu.memory_space<hbm>> -> memref<1x50x64xf32, #tpu.memory_space<hbm>>
    %dma_wait3A_359 = tpu.memref_squeeze %dma_wait3A_358 : memref<1x50x64xf32, #tpu.memory_space<hbm>> -> memref<50x64xf32, #tpu.memory_space<hbm>>
    %dma_wait3A_360 = arith.constant 0 : i32
    %dma_wait3A_361 = arith.constant 0 : i32
    %dma_wait3A_362 = tpu.memref_slice %arg7[%rem3A_341, %dma_wait3A_360, %dma_wait3A_361] : memref<4x50x64xf32, #tpu.memory_space<vmem>> -> memref<1x50x64xf32, #tpu.memory_space<vmem>>
    %dma_wait3A_363 = tpu.memref_squeeze %dma_wait3A_362 : memref<1x50x64xf32, #tpu.memory_space<vmem>> -> memref<50x64xf32, #tpu.memory_space<vmem>>
    tpu.wait_dma2 semaphore(%dma_wait3A_355 : memref<!tpu.dma_semaphore, #tpu.memory_space<semaphore_mem>>) src(%dma_wait3A_363 : memref<50x64xf32, #tpu.memory_space<vmem>>) dst(%dma_wait3A_359 : memref<50x64xf32, #tpu.memory_space<hbm>>)
    %rem3A_364 = arith.constant 510 : i32
    %rem3A_365 = arith.constant 4 : i32
    %rem3A_366 = arith.remsi %rem3A_364, %rem3A_365 : i32
    %mul3A_367 = arith.constant 512 : i32
    %mul3A_368 = arith.muli %add3A, %mul3A_367 : i32
    %add3A_369 = arith.constant 510 : i32
    %add3A_370 = arith.addi %mul3A_368, %add3A_369 : i32
    %dma_wait3A_371 = arith.constant 0 : i32
    %dma_wait3A_372 = arith.constant 0 : i32
    %dma_wait3A_373 = tpu.memref_slice %arg7[%rem3A_366, %dma_wait3A_371, %dma_wait3A_372] : memref<4x50x64xf32, #tpu.memory_space<vmem>> -> memref<1x50x64xf32, #tpu.memory_space<vmem>>
    %dma_wait3A_374 = tpu.memref_squeeze %dma_wait3A_373 : memref<1x50x64xf32, #tpu.memory_space<vmem>> -> memref<50x64xf32, #tpu.memory_space<vmem>>
    %dma_wait3A_375 = arith.constant 0 : i32
    %dma_wait3A_376 = arith.constant 0 : i32
    %dma_wait3A_377 = tpu.memref_slice %arg4[%add3A_370, %dma_wait3A_375, %dma_wait3A_376] : memref<16384x50x64xf32, #tpu.memory_space<hbm>> -> memref<1x50x64xf32, #tpu.memory_space<hbm>>
    %dma_wait3A_378 = tpu.memref_squeeze %dma_wait3A_377 : memref<1x50x64xf32, #tpu.memory_space<hbm>> -> memref<50x64xf32, #tpu.memory_space<hbm>>
    %dma_wait3A_379 = tpu.memref_slice %arg9[%rem3A_366] : memref<4x!tpu.dma_semaphore, #tpu.memory_space<semaphore_mem>> -> memref<1x!tpu.dma_semaphore, #tpu.memory_space<semaphore_mem>>
    %dma_wait3A_380 = tpu.memref_squeeze %dma_wait3A_379 : memref<1x!tpu.dma_semaphore, #tpu.memory_space<semaphore_mem>> -> memref<!tpu.dma_semaphore, #tpu.memory_space<semaphore_mem>>
    %dma_wait3A_381 = arith.constant 0 : i32
    %dma_wait3A_382 = arith.constant 0 : i32
    %dma_wait3A_383 = tpu.memref_slice %arg4[%add3A_370, %dma_wait3A_381, %dma_wait3A_382] : memref<16384x50x64xf32, #tpu.memory_space<hbm>> -> memref<1x50x64xf32, #tpu.memory_space<hbm>>
    %dma_wait3A_384 = tpu.memref_squeeze %dma_wait3A_383 : memref<1x50x64xf32, #tpu.memory_space<hbm>> -> memref<50x64xf32, #tpu.memory_space<hbm>>
    %dma_wait3A_385 = arith.constant 0 : i32
    %dma_wait3A_386 = arith.constant 0 : i32
    %dma_wait3A_387 = tpu.memref_slice %arg7[%rem3A_366, %dma_wait3A_385, %dma_wait3A_386] : memref<4x50x64xf32, #tpu.memory_space<vmem>> -> memref<1x50x64xf32, #tpu.memory_space<vmem>>
    %dma_wait3A_388 = tpu.memref_squeeze %dma_wait3A_387 : memref<1x50x64xf32, #tpu.memory_space<vmem>> -> memref<50x64xf32, #tpu.memory_space<vmem>>
    tpu.wait_dma2 semaphore(%dma_wait3A_380 : memref<!tpu.dma_semaphore, #tpu.memory_space<semaphore_mem>>) src(%dma_wait3A_388 : memref<50x64xf32, #tpu.memory_space<vmem>>) dst(%dma_wait3A_384 : memref<50x64xf32, #tpu.memory_space<hbm>>)
    %rem3A_389 = arith.constant 511 : i32
    %rem3A_390 = arith.constant 4 : i32
    %rem3A_391 = arith.remsi %rem3A_389, %rem3A_390 : i32
    %mul3A_392 = arith.constant 512 : i32
    %mul3A_393 = arith.muli %add3A, %mul3A_392 : i32
    %add3A_394 = arith.constant 511 : i32
    %add3A_395 = arith.addi %mul3A_393, %add3A_394 : i32
    %dma_wait3A_396 = arith.constant 0 : i32
    %dma_wait3A_397 = arith.constant 0 : i32
    %dma_wait3A_398 = tpu.memref_slice %arg7[%rem3A_391, %dma_wait3A_396, %dma_wait3A_397] : memref<4x50x64xf32, #tpu.memory_space<vmem>> -> memref<1x50x64xf32, #tpu.memory_space<vmem>>
    %dma_wait3A_399 = tpu.memref_squeeze %dma_wait3A_398 : memref<1x50x64xf32, #tpu.memory_space<vmem>> -> memref<50x64xf32, #tpu.memory_space<vmem>>
    %dma_wait3A_400 = arith.constant 0 : i32
    %dma_wait3A_401 = arith.constant 0 : i32
    %dma_wait3A_402 = tpu.memref_slice %arg4[%add3A_395, %dma_wait3A_400, %dma_wait3A_401] : memref<16384x50x64xf32, #tpu.memory_space<hbm>> -> memref<1x50x64xf32, #tpu.memory_space<hbm>>
    %dma_wait3A_403 = tpu.memref_squeeze %dma_wait3A_402 : memref<1x50x64xf32, #tpu.memory_space<hbm>> -> memref<50x64xf32, #tpu.memory_space<hbm>>
    %dma_wait3A_404 = tpu.memref_slice %arg9[%rem3A_391] : memref<4x!tpu.dma_semaphore, #tpu.memory_space<semaphore_mem>> -> memref<1x!tpu.dma_semaphore, #tpu.memory_space<semaphore_mem>>
    %dma_wait3A_405 = tpu.memref_squeeze %dma_wait3A_404 : memref<1x!tpu.dma_semaphore, #tpu.memory_space<semaphore_mem>> -> memref<!tpu.dma_semaphore, #tpu.memory_space<semaphore_mem>>
    %dma_wait3A_406 = arith.constant 0 : i32
    %dma_wait3A_407 = arith.constant 0 : i32
    %dma_wait3A_408 = tpu.memref_slice %arg4[%add3A_395, %dma_wait3A_406, %dma_wait3A_407] : memref<16384x50x64xf32, #tpu.memory_space<hbm>> -> memref<1x50x64xf32, #tpu.memory_space<hbm>>
    %dma_wait3A_409 = tpu.memref_squeeze %dma_wait3A_408 : memref<1x50x64xf32, #tpu.memory_space<hbm>> -> memref<50x64xf32, #tpu.memory_space<hbm>>
    %dma_wait3A_410 = arith.constant 0 : i32
    %dma_wait3A_411 = arith.constant 0 : i32
    %dma_wait3A_412 = tpu.memref_slice %arg7[%rem3A_391, %dma_wait3A_410, %dma_wait3A_411] : memref<4x50x64xf32, #tpu.memory_space<vmem>> -> memref<1x50x64xf32, #tpu.memory_space<vmem>>
    %dma_wait3A_413 = tpu.memref_squeeze %dma_wait3A_412 : memref<1x50x64xf32, #tpu.memory_space<vmem>> -> memref<50x64xf32, #tpu.memory_space<vmem>>
    tpu.wait_dma2 semaphore(%dma_wait3A_405 : memref<!tpu.dma_semaphore, #tpu.memory_space<semaphore_mem>>) src(%dma_wait3A_413 : memref<50x64xf32, #tpu.memory_space<vmem>>) dst(%dma_wait3A_409 : memref<50x64xf32, #tpu.memory_space<hbm>>)
    return
  }
}

</mosaic_0001>

<sc_bundles>
// kernel: kernel.3.cloned.1.call-start
scs
__scs_entry_jumppad:
0x0: {  	(pc) =	sbr.rel $0x88, $3  }
0x1: {  	(tag) =	ssettag $0x0;
	lr =	simm.s32 $0x1  }
0x2: {  	[smem:$0x3F9F] =	sst lr;
	_ =	strace $0xD0000000  }
0x3: {  	_ = 	snop  }
0x4: {  	_ = 	snop  }
0x5: {  	_ = 	snop  }
0x6: {  	_ = 	snop  }
0x7: {  	_ = 	snop  }
__scs_overlays_trampoline_lowered:
0x8: {  	[smem:$0x3FAE] =	sst s0  }
0x9: {  	[smem:$0x3FAF] =	sst s1  }
0xa: {  	[smem:$0x3FB0] =	sst s2  }
0xb: {  	[smem:$0x3FB1] =	sst s3  }
0xc: {  	[smem:$0x3FB2] =	sst s4  }
0xd: {  	[smem:$0x3FB3] =	sst s5  }
0xe: {  	[smem:$0x3FB4] =	sst s6  }
0xf: {  	[smem:$0x3FB5] =	sst s7  }
0x10: {  	[smem:$0x3FB6] =	sst s8  }
0x11: {  	[smem:$0x3FB7] =	sst s9;
	s0 =	simm.s32 @!p0 $0x0  }
0x12: {  	s1 =	sld [smem:$0x3F9D];
	s0 =	simm.s32 @p0 $0x1  }
0x13: {  	[smem:$0x3FB8] =	sst s0;
	s0 =	simm.s32 @!p1 $0x0  }
0x14: {  	s2 =	sld [smem:$0x3F9C];
	s0 =	simm.s32 @p1 $0x1  }
0x15: {  	[smem:$0x3FB9] =	sst s0;
	s0 =	simm.s32 @!p2 $0x0  }
0x16: {  	s3 =	sld [smem:$0x3FDB];
	s0 =	simm.s32 @p2 $0x1  }
0x17: {  	s4 =	simm.s32 $0x1BF5;
	[smem:$0x3FBB] =	sst s0  }
0x18: {  	s0 =	sld [smem:$0x3F9E];
	_ =	swait.ge [sflag:s4], $0x0  }
0x19: {  	s7 =	sld [smem:$0x3F9F]  }
0x1a: {  	s8 =	sadd.s32 $0xFFFFE003, lr  }
0x1b: {  	s9 =	sadd.s32 $0xFFFFFEF7, lr;
	s5 =	simm.s32 $0xFFFFFFFF;
	p2 =	slt.u32 s8, $0xFFFFF086  }
0x1c: {  	p1 =	slt.u32 s9, $0xF7A;
	s5 =	simm.s32 @!p2 $0x0  }
0x1d: {  	s5 =	simm.s32 @p1 $0x1;
	p0 =	seq.s32 s7, s2  }
0x1e: {  	s7 =	smul.u32 @!p0 $0xF7A, s2;
	p2 =	seq.s32 @!p0 s5, $0x0  }
0x1f: {  	s9 =	smul.u32 $0xF7A, s1;
	s8 =	simm.s32 @!p0 $0x1BF5;
	p2 =	por !p2, p0  }
0x20: {  	[sflag:s8] =	ssyncset.s32 @!p0 $0xFFFFF086;
	s6 =	sadd.s32 @!p0 s3, s7;
	s7 =	simm.s32 @!p0 $0x108  }
0x21: {  	s3 =	sadd.s32 s3, s9;
	s6 =	sadd.s32 @!p0 $0x88, s6;
	s7 =	simm.s32 @p2 $0x1082  }
0x22: {  	[simem:s7], [sflag:s8] =	dma.local @!p0 [hbm:s6], $0xF7A  }
0x23: {  	s9 =	sor.u32 $0xD0000000, s2;
	s6 =	simm.s32 $0x108;
	_ =	swait.ge @!p0 [sflag:s8], $0x0  }
0x24: {  	s3 =	sadd.s32 $0x88, s3;
	s6 =	simm.s32 @!p1 $0x1082;
	[sflag:s4] =	ssyncset.s32 $0xFFFFF086  }
0x25: {  	[simem:s6], [sflag:s4] =	dma.local [hbm:s3], $0xF7A  }
0x26: {  	[smem:$0x3F9F] =	sst s1;
	(tag) =	ssettag s2;
	_ =	strace s9  }
0x27: {  	s1 =	sld [smem:$0x3FAF]  }
0x28: {  	s2 =	sld [smem:$0x3FB0]  }
0x29: {  	s4 =	sld [smem:$0x3FB2]  }
0x2a: {  	p0 =	seq.s32 s5, $0x0;
	s5 =	sld [smem:$0x3FB3]  }
0x2b: {  	s6 =	sld [smem:$0x3FB4]  }
0x2c: {  	s7 =	sld [smem:$0x3FB5]  }
0x2d: {  	s3 =	simm.s32 $0x108;
	s8 =	sld [smem:$0x3FB6]  }
0x2e: {  	s3 =	simm.s32 @!p0 $0x1082;
	s9 =	sld [smem:$0x3FB7]  }
0x2f: {  	lr =	sadd.s32 s0, s3;
	s0 =	sld [smem:$0x3FAE]  }
0x30: {  	s3 =	sld [smem:$0x3FB1]  }
0x31: {  	[smem:$0x3FBA] =	sst s10  }
0x32: {  	s10 =	sld [smem:$0x3FB8];
	_ =	sdelay $0x3  }
0x33: {  	p0 =	seq.s32 s10, $0x1;
	s10 =	sld [smem:$0x3FBA];
	_ =	sdelay $0x3  }
0x34: {  	[smem:$0x3FBA] =	sst s10  }
0x35: {  	s10 =	sld [smem:$0x3FB9];
	_ =	sdelay $0x3  }
0x36: {  	p1 =	seq.s32 s10, $0x1;
	s10 =	sld [smem:$0x3FBA];
	_ =	sdelay $0x3  }
0x37: {  	[smem:$0x3FBA] =	sst s10  }
0x38: {  	s10 =	sld [smem:$0x3FBB]  }
0x39: {  	_ = 	snop;
	(pc) =	sbr.ind lr, $3  }
0x3a: {  	_ = 	snop  }
0x3b: {  	_ = 	snop  }
0x3c: {  	p2 =	seq.s32 s10, $0x1;
	s10 =	sld [smem:$0x3FBA]  }
0x3d: {  	_ =	shalt  }
0x3e: {  	_ =	shalt  }
0x3f: {  	_ =	shalt  }
0x40: {  	_ =	shalt  }
0x41: {  	_ =	shalt  }
0x42: {  	_ =	shalt  }
0x43: {  	_ =	shalt  }
0x44: {  	_ =	shalt  }
0x45: {  	_ =	shalt  }
0x46: {  	_ =	shalt  }
0x47: {  	_ =	shalt  }
0x48: {  	_ =	shalt  }
0x49: {  	_ =	shalt  }
0x4a: {  	_ =	shalt  }
0x4b: {  	_ =	shalt  }
0x4c: {  	_ =	shalt  }
0x4d: {  	_ =	shalt  }
0x4e: {  	_ =	shalt  }
0x4f: {  	_ =	shalt  }
0x50: {  	_ =	shalt  }
0x51: {  	_ =	shalt  }
0x52: {  	_ =	shalt  }
0x53: {  	_ =	shalt  }
0x54: {  	_ =	shalt  }
0x55: {  	_ =	shalt  }
0x56: {  	_ =	shalt  }
0x57: {  	_ =	shalt  }
0x58: {  	_ =	shalt  }
0x59: {  	_ =	shalt  }
0x5a: {  	_ =	shalt  }
0x5b: {  	_ =	shalt  }
0x5c: {  	_ =	shalt  }
0x5d: {  	_ =	shalt  }
0x5e: {  	_ =	shalt  }
0x5f: {  	_ =	shalt  }
0x60: {  	_ =	shalt  }
0x61: {  	_ =	shalt  }
0x62: {  	_ =	shalt  }
0x63: {  	_ =	shalt  }
0x64: {  	_ =	shalt  }
0x65: {  	_ =	shalt  }
0x66: {  	_ =	shalt  }
0x67: {  	_ =	shalt  }
0x68: {  	_ =	shalt  }
0x69: {  	_ =	shalt  }
0x6a: {  	_ =	shalt  }
0x6b: {  	_ =	shalt  }
0x6c: {  	_ =	shalt  }
0x6d: {  	_ =	shalt  }
0x6e: {  	_ =	shalt  }
0x6f: {  	_ =	shalt  }
0x70: {  	_ =	shalt  }
0x71: {  	_ =	shalt  }
0x72: {  	_ =	shalt  }
0x73: {  	_ =	shalt  }
0x74: {  	_ =	shalt  }
0x75: {  	_ =	shalt  }
0x76: {  	_ =	shalt  }
0x77: {  	_ =	shalt  }
0x78: {  	_ =	shalt  }
0x79: {  	_ =	shalt  }
0x7a: {  	_ =	shalt  }
0x7b: {  	_ =	shalt  }
0x7c: {  	_ =	shalt  }
0x7d: {  	_ =	shalt  }
0x7e: {  	_ =	shalt  }
0x7f: {  	_ =	shalt  }
0x80: {  	_ =	shalt  }
0x81: {  	_ =	shalt  }
0x82: {  	_ =	shalt  }
0x83: {  	_ =	shalt  }
0x84: {  	_ =	shalt  }
0x85: {  	_ =	shalt  }
0x86: {  	_ =	shalt  }
0x87: {  	_ =	shalt  }
.Lfunc_end0:
.L_simem_size_0:
called_computation.1_lowered:
.L_overlay_start_0:
0x88: {  	s2 =	sld [smem:$0x3FD9]  }
0x89: {  	s3 =	sld [smem:$0x3FFE];
	_ =	sdelay $0x1  }
0x8a: {  	s1 =	srdreg.scid  }
0x8b: {  	s0 =	sand.u32 $0x1, s1  }
0x8c: {  	s17 =	sshll.u32 s0, $0xA;
	s2 =	sadd.s32 s3, s2  }
0x8d: {  	s2 =	sadd.s32 s2, s17  }
0x8e: {  	[smem:$0x3FC6] =	sst s2  }
0x8f: {  	_ = 	snop  }
0x90: {  	s2 =	sld [smem:$0x3FD0];
	(tm) =	ssettm $0x1  }
0x91: {  	s18 =	sld [smem:$0x3FFB];
	_ =	sdelay $0x3  }
0x92: {  	_ =	strace s18  }
0x93: {  	s3 =	sld [smem:$0x3FFC];
	_ =	sdelay $0x3  }
0x94: {  	_ =	strace s3  }
0x95: {  	s3 =	sld [smem:$0x3FFD];
	_ =	sdelay $0x3  }
0x96: {  	_ =	strace s3  }
0x97: {  	_ =	strace $0x8FFFFFFF  }
0x98: {  	s19 =	sld [smem:$0x3FDB];
	_ =	sdelay $0x1  }
0x99: {  	s4 =	simm.s32 $_scs_section_size  }
0x9a: {  	s5 =	simm.s32 $_size__tile_overlayer_lowered;
	s6 =	simm.s32 $_tile_overlayer_lowered  }
0x9b: {  	s22 =	simm.s32 $0x1BFF;
	s21 =	sshll.u32 s6, $0x1;
	s3 =	sadd.s32 s4, s19  }
0x9c: {  	s7 =	simm.s32 $0x0;
	s20 =	sshll.u32 s5, $0x1;
	s5 =	sadd.s32 s21, s3  }
0x9d: {  	[timem:s7], [sflag:s22] =	dma.local [hbm:s5], s20  }
0x9e: {  	_ =	swait.ge [sflag:s22], s20  }
0x9f: {  	s4 =	ssub.s32 $0x0, s20;
	[sflag:s22] =	ssyncset.done $0x0  }
0xa0: {  	[sflag:s22] =	ssyncadd.s32 s4;
	_ =	sdelay $0x1  }
0xa1: {  	s23 =	simm.s32 $0x1B8B  }
0xa2: {  	_ =	swait.ge [sflag:s23], $0x1  }
0xa3: {  	[sflag:s23] =	ssyncset.done $0x0  }
0xa4: {  	s25 =	simm.s32 $0x1B8E;
	s24 =	sld [smem:$0x3FFE];
	[sflag:s23] =	ssyncadd.s32 $0xFFFFFFFF  }
0xa5: {  	s26 =	simm.s32 $execute0_lowered;
	[smem:$0x3FD2] =	sst s25  }
0xa6: {  	s5 =	sshll.u32 s26, $0x1;
	_ =	strace $0x80000046;
	[dreg:$0x1] =	wrdreg $0xFFFFFFFF  }
0xa7: {  	s28 =	simm.s32 $_size_execute0_lowered;
	s3 =	sadd.s32 s3, s5;
	[dreg:$0x0] =	wrdreg $0x0  }
0xa8: {  	s5 =	sshll.u32 s28, $0x1;
	[dreg:$0x2] =	wrdreg s3  }
0xa9: {  	[dreg:$0x3] =	wrdreg s5  }
0xaa: {  	[dreg:$0x4] =	wrdreg $0xC0  }
0xab: {  	_ =	task [dreg:s7], $0x5FFFF  }
0xac: {  	[dreg:$0x1] =	wrdreg $0xFFFFFFFF  }
0xad: {  	[dreg:$0x0] =	wrdreg $0x60  }
0xae: {  	[dreg:$0x2] =	wrdreg s2  }
0xaf: {  	[dreg:$0x3] =	wrdreg s24  }
0xb0: {  	[dreg:$0x4] =	wrdreg $0x9  }
0xb1: {  	_ =	task.clear_ibuf [dreg:s7], $0x5FFFF;
	_ =	strace $0x90000046  }
0xb2: {  	s29 =	simm.s32 $0x9;
	_ =	strace $0x80000048  }
0xb3: {  	_ =	swait.ge [sflag:s29], $0x1  }
0xb4: {  	[sflag:s29] =	ssyncadd.s32 $0xFFFFFFFF  }
0xb5: {  	_ =	strace $0x90000048  }
0xb6: {  	_ =	sfence  }
0xb7: {  	s30 =	sld [smem:$0x0];
	_ =	sdelay $0x2  }
0xb8: {  	s31 =	sshll.u32 s1, $0xD;
	s1 =	sshrl.u32 s1, $0x2  }
0xb9: {  	s3 =	sand.u32 $0x4000, s31;
	s1 =	sadd.s32 s1, s30  }
0xba: {  	s0 =	sor.u32 s3, s0;
	s1 =	sshll.u32 s1, $0x11  }
0xbb: {  	s0 =	sor.u32 s1, s0  }
0xbc: {  	s0 =	sadd.s32 $0x8F2B, s0  }
0xbd: {  	[sflag:s0] =	ssyncadd.remote.s32 $0x1  }
0xbe: {  	_ =	sfence.sel $0xFFFF  }
0xbf: {  	[dreg:$0x0] =	wrdreg $0xFFFFFFFF;
	(pc) =	sbr.abs _section_cstart, $3  }
0xc0: {  	[dreg:$0x1] =	wrdreg $0xFFFFFFFF  }
0xc1: {  	_ =	task.clear_ibuf [dreg:s7], $0x2FFFF;
	_ =	strace $0x9FFFFFFF  }
0xc2: {  	(tm) =	ssettm $0x7FFFFFFF  }
0xc3: {  	_ =	shalt  }
tec
execute0_lowered:
.L_overlay_start_1:
0x0: {  	(tag) =	ssettag $0x1  }
0x1: {  	s0 =	rddreg [dreg:$0x0]  }
0x2: {  	s1 =	rddreg [dreg:$0x1];
	s3 =	srdreg.scid  }
0x3: {  	s4 =	stileid.u32;
	s2 =	simm.s32 $0x0;
	s25 =	simm.s32 $0xE480  }
0x4: {  	s28 =	simm.s32 $0xF480;
	s29 =	simm.s32 $0xFC80;
	s30 =	simm.s32 $0x10480  }
0x5: {  	s31 =	simm.s32 $0x10C80;
	s9 =	simm.s32 $0x9;
	s10 =	simm.s32 $0xA  }
0x6: {  	s11 =	simm.s32 $0xB;
	s12 =	simm.s32 $0xC;
	s13 =	simm.s32 $0x0  }
0x7: {  	s3 =	sand.u32 $0x1, s3;
	s4 =	sshll.u32 s4, $0x1;
	[smem:$0x7FF] =	sst s2  }
0x8: {  	s5 =	ssub.s32 $0x2, s3;
	s6 =	sor.u32 s3, s4;
	_ =	strace $0x80000047  }
0x9: {  	s3 =	sadd.s32 $0xF42E00, s1;
	s7 =	sshrl.u32 s5, $0x1;
	s8 =	smul.u32 $0xC80, s6  }
0xa: {  	s4 =	sadd.s32 $0xA00, s1;
	s1 =	simm.s32 $0x11C80;
	s26 =	ssub.s32 s5, s7  }
0xb: {  	s6 =	sshll.u32 s6, $0x9;
	s5 =	sadd.s32 s0, s8;
	s7 =	smax.u32 s26, $0x1  }
0xc: {  	v0 =	vimm.s32 $0x0;
	vm0 =	vmmov $0xffff;
	s8 =	simm.s32 $0xD;
	s26 =	simm.s32 $0xEC80;
	s0 =	simm.s32 $0x11480  }
.LBB2_1:
0xd: {  	[tilespmem:s2], [sflag:$0xD] =	stream.linear.gather [hbm4b:s5+s2], $0x6400, $0x38;
	[tilespmem:$0x1D480] =	vst v63  }
0xe: {  	_ =	swait.ge [sflag:s8], $0x6400  }
0xf: {  	[sflag:s8] =	ssyncset.done $0x0  }
0x10: {  	[sflag:s8] =	ssyncadd.s32 $0xFFFF9C00  }
0x11: {  	v1 =	vld [tilespmem:$0x0];
	_ =	sdelay $0x6  }
0x12: {  	s14 =	simm.s32 $0x6480;
	[tilespmem:$0x6400] =	vst v0  }
0x13: {  	[tilespmem:s14], [sflag:$0x1] =	stream.indirect_vreg.gather [hbm4b:s3+s2], $0x80, v1, vm0, $0xb8;
	[tilespmem:$0x1D480] =	vst v63  }
0x14: {  	v1 =	vld [tilespmem:$0x10];
	_ =	sdelay $0x6  }
0x15: {  	s20 =	simm.s32 $0x6C80  }
0x16: {  	[tilespmem:s20], [sflag:$0x1] =	stream.indirect_vreg.gather [hbm4b:s3+s2], $0x80, v1, vm0, $0xb8;
	[tilespmem:$0x1D480] =	vst v63  }
0x17: {  	v1 =	vld [tilespmem:$0x20];
	_ =	sdelay $0x6  }
0x18: {  	s21 =	simm.s32 $0x7480  }
0x19: {  	[tilespmem:s21], [sflag:$0x1] =	stream.indirect_vreg.gather [hbm4b:s3+s2], $0x80, v1, vm0, $0xb8;
	[tilespmem:$0x1D480] =	vst v63  }
0x1a: {  	v1 =	vld [tilespmem:$0x30];
	_ =	sdelay $0x6  }
0x1b: {  	s22 =	simm.s32 $0x7C80  }
0x1c: {  	[tilespmem:s22], [sflag:$0x1] =	stream.indirect_vreg.gather [hbm4b:s3+s2], $0x80, v1, vm0, $0xb8;
	[tilespmem:$0x1D480] =	vst v63  }
0x1d: {  	v1 =	vld [tilespmem:$0x32];
	_ =	sdelay $0x6  }
0x1e: {  	s23 =	simm.s32 $0x8480  }
0x1f: {  	[tilespmem:s23], [sflag:$0x2] =	stream.indirect_vreg.gather [hbm4b:s3+s2], $0x80, v1, vm0, $0xb8;
	[tilespmem:$0x1D480] =	vst v63  }
0x20: {  	v1 =	vld [tilespmem:$0x42];
	_ =	sdelay $0x6  }
0x21: {  	s24 =	simm.s32 $0x8C80  }
0x22: {  	[tilespmem:s24], [sflag:$0x2] =	stream.indirect_vreg.gather [hbm4b:s3+s2], $0x80, v1, vm0, $0xb8;
	[tilespmem:$0x1D480] =	vst v63  }
0x23: {  	v1 =	vld [tilespmem:$0x52];
	_ =	sdelay $0x6  }
0x24: {  	s15 =	simm.s32 $0x9480  }
0x25: {  	[tilespmem:s15], [sflag:$0x2] =	stream.indirect_vreg.gather [hbm4b:s3+s2], $0x80, v1, vm0, $0xb8;
	[tilespmem:$0x1D480] =	vst v63  }
0x26: {  	v1 =	vld [tilespmem:$0x62];
	_ =	sdelay $0x6  }
0x27: {  	s16 =	simm.s32 $0x9C80  }
0x28: {  	[tilespmem:s16], [sflag:$0x2] =	stream.indirect_vreg.gather [hbm4b:s3+s2], $0x80, v1, vm0, $0xb8;
	[tilespmem:$0x1D480] =	vst v63  }
0x29: {  	v1 =	vld [tilespmem:$0x64];
	_ =	sdelay $0x6  }
0x2a: {  	s17 =	simm.s32 $0xA480  }
0x2b: {  	[tilespmem:s17], [sflag:$0x3] =	stream.indirect_vreg.gather [hbm4b:s3+s2], $0x80, v1, vm0, $0xb8;
	[tilespmem:$0x1D480] =	vst v63  }
0x2c: {  	v1 =	vld [tilespmem:$0x74];
	_ =	sdelay $0x6  }
0x2d: {  	s18 =	simm.s32 $0xAC80  }
0x2e: {  	[tilespmem:s18], [sflag:$0x3] =	stream.indirect_vreg.gather [hbm4b:s3+s2], $0x80, v1, vm0, $0xb8;
	[tilespmem:$0x1D480] =	vst v63  }
0x2f: {  	v1 =	vld [tilespmem:$0x84];
	_ =	sdelay $0x6  }
0x30: {  	s19 =	simm.s32 $0xB480  }
0x31: {  	[tilespmem:s19], [sflag:$0x3] =	stream.indirect_vreg.gather [hbm4b:s3+s2], $0x80, v1, vm0, $0xb8;
	[tilespmem:$0x1D480] =	vst v63  }
0x32: {  	v1 =	vld [tilespmem:$0x94];
	_ =	sdelay $0x6  }
0x33: {  	s20 =	simm.s32 $0xBC80  }
0x34: {  	[tilespmem:s20], [sflag:$0x3] =	stream.indirect_vreg.gather [hbm4b:s3+s2], $0x80, v1, vm0, $0xb8;
	[tilespmem:$0x1D480] =	vst v63  }
0x35: {  	v1 =	vld [tilespmem:$0x96];
	_ =	sdelay $0x6  }
0x36: {  	s21 =	simm.s32 $0xC480  }
0x37: {  	[tilespmem:s21], [sflag:$0x4] =	stream.indirect_vreg.gather [hbm4b:s3+s2], $0x80, v1, vm0, $0xb8;
	[tilespmem:$0x1D480] =	vst v63  }
0x38: {  	v1 =	vld [tilespmem:$0xA6];
	_ =	sdelay $0x6  }
0x39: {  	s22 =	simm.s32 $0xCC80  }
0x3a: {  	[tilespmem:s22], [sflag:$0x4] =	stream.indirect_vreg.gather [hbm4b:s3+s2], $0x80, v1, vm0, $0xb8;
	[tilespmem:$0x1D480] =	vst v63  }
0x3b: {  	v1 =	vld [tilespmem:$0xB6];
	_ =	sdelay $0x6  }
0x3c: {  	s23 =	simm.s32 $0xD480  }
0x3d: {  	[tilespmem:s23], [sflag:$0x4] =	stream.indirect_vreg.gather [hbm4b:s3+s2], $0x80, v1, vm0, $0xb8;
	[tilespmem:$0x1D480] =	vst v63  }
0x3e: {  	v1 =	vld [tilespmem:$0xC6];
	_ =	sdelay $0x6  }
0x3f: {  	s24 =	simm.s32 $0xDC80  }
0x40: {  	[tilespmem:s24], [sflag:$0x4] =	stream.indirect_vreg.gather [hbm4b:s3+s2], $0x80, v1, vm0, $0xb8;
	[tilespmem:$0x1D480] =	vst v63  }
0x41: {  	v1 =	vld [tilespmem:$0xC8];
	_ =	sdelay $0x7  }
0x42: {  	[tilespmem:s25], [sflag:$0x5] =	stream.indirect_vreg.gather [hbm4b:s3+s2], $0x80, v1, vm0, $0xb8;
	[tilespmem:$0x1D480] =	vst v63  }
0x43: {  	v1 =	vld [tilespmem:$0xD8];
	_ =	sdelay $0x7  }
0x44: {  	[tilespmem:s26], [sflag:$0x5] =	stream.indirect_vreg.gather [hbm4b:s3+s2], $0x80, v1, vm0, $0xb8;
	[tilespmem:$0x1D480] =	vst v63  }
0x45: {  	v1 =	vld [tilespmem:$0xE8];
	_ =	sdelay $0x7  }
0x46: {  	[tilespmem:s28], [sflag:$0x5] =	stream.indirect_vreg.gather [hbm4b:s3+s2], $0x80, v1, vm0, $0xb8;
	[tilespmem:$0x1D480] =	vst v63  }
0x47: {  	v1 =	vld [tilespmem:$0xF8];
	_ =	sdelay $0x7  }
0x48: {  	[tilespmem:s29], [sflag:$0x5] =	stream.indirect_vreg.gather [hbm4b:s3+s2], $0x80, v1, vm0, $0xb8;
	[tilespmem:$0x1D480] =	vst v63  }
0x49: {  	v1 =	vld [tilespmem:$0xFA];
	_ =	sdelay $0x7  }
0x4a: {  	[tilespmem:s30], [sflag:$0x6] =	stream.indirect_vreg.gather [hbm4b:s3+s2], $0x80, v1, vm0, $0xb8;
	[tilespmem:$0x1D480] =	vst v63  }
0x4b: {  	v1 =	vld [tilespmem:$0x10A];
	_ =	sdelay $0x7  }
0x4c: {  	[tilespmem:s31], [sflag:$0x6] =	stream.indirect_vreg.gather [hbm4b:s3+s2], $0x80, v1, vm0, $0xb8;
	[tilespmem:$0x1D480] =	vst v63  }
0x4d: {  	v1 =	vld [tilespmem:$0x11A];
	_ =	sdelay $0x7  }
0x4e: {  	[tilespmem:s0], [sflag:$0x6] =	stream.indirect_vreg.gather [hbm4b:s3+s2], $0x80, v1, vm0, $0xb8;
	[tilespmem:$0x1D480] =	vst v63  }
0x4f: {  	v1 =	vld [tilespmem:$0x12A];
	_ =	sdelay $0x6  }
0x50: {  	s14 =	simm.s32 $0x0;
	s15 =	simm.s32 $0x0;
	s16 =	simm.s32 $0x0  }
0x51: {  	[tilespmem:s1], [sflag:$0x6] =	stream.indirect_vreg.gather [hbm4b:s3+s2], $0x80, v1, vm0, $0xb8;
	[tilespmem:$0x1D480] =	vst v63  }
.LBB2_2:
0x52: {  	p0 =	sgt.u32 s16, $0x1F9  }
0x53: {  	s17 =	sadd.s32 @!p0 $0x6, s16  }
0x54: {  	s18 =	smul.u32 @!p0 $0xC8, s17;
	_ =	sdelay $0x1  }
0x55: {  	s18 =	sshra.s32 @!p0 s18, $0x2  }
0x56: {  	v1 =	vld @!p0 [tilespmem:s18+$0x0];
	_ =	sdelay $0x4  }
0x57: {  	s17 =	sand.u32 @!p0 $0x7, s17  }
0x58: {  	s19 =	sshll.u32 @!p0 s17, $0xD  }
0x59: {  	vm1 =	vmmov @!p0 $0xffff;
	s21 =	simm.s32 @!p0 $0x0;
	s17 =	sadd.s32 @!p0 $0x1, s17;
	s20 =	sadd.s32 @!p0 $0x6480, s19  }
0x5a: {  	[tilespmem:s20], [sflag:s17] =	stream.indirect_vreg.gather @!p0 [hbm4b:s3+s21], $0x80, v1, vm1, $0xb8;
	[tilespmem:$0x1D480] =	vst v63  }
0x5b: {  	v1 =	vld @!p0 [tilespmem:s18+$0x10];
	_ =	sdelay $0x6  }
0x5c: {  	s20 =	sadd.s32 @!p0 $0x6C80, s19  }
0x5d: {  	[tilespmem:s20], [sflag:s17] =	stream.indirect_vreg.gather @!p0 [hbm4b:s3+s21], $0x80, v1, vm1, $0xb8;
	[tilespmem:$0x1D480] =	vst v63  }
0x5e: {  	v1 =	vld @!p0 [tilespmem:s18+$0x20];
	_ =	sdelay $0x6  }
0x5f: {  	s20 =	sadd.s32 @!p0 $0x7480, s19  }
0x60: {  	[tilespmem:s20], [sflag:s17] =	stream.indirect_vreg.gather @!p0 [hbm4b:s3+s21], $0x80, v1, vm1, $0xb8;
	[tilespmem:$0x1D480] =	vst v63  }
0x61: {  	v1 =	vld @!p0 [tilespmem:s18+$0x30];
	_ =	sdelay $0x5  }
0x62: {  	s20 =	sand.u32 $0x7, s16  }
0x63: {  	s19 =	sadd.s32 @!p0 $0x7C80, s19;
	s18 =	sadd.s32 $0x1, s20  }
0x64: {  	[tilespmem:s19], [sflag:s17] =	stream.indirect_vreg.gather @!p0 [hbm4b:s3+s21], $0x80, v1, vm1, $0xb8;
	[tilespmem:$0x1D480] =	vst v63  }
0x65: {  	_ =	swait.ge [sflag:s18], $0x800  }
0x66: {  	[sflag:s18] =	ssyncset.done $0x0  }
0x67: {  	[sflag:s18] =	ssyncadd.s32 $0xFFFFF800  }
0x68: {  	_ =	swait.ge [sflag:s18], $0x800  }
0x69: {  	[sflag:s18] =	ssyncset.done $0x0  }
0x6a: {  	[sflag:s18] =	ssyncadd.s32 $0xFFFFF800  }
0x6b: {  	_ =	swait.ge [sflag:s18], $0x800  }
0x6c: {  	[sflag:s18] =	ssyncset.done $0x0  }
0x6d: {  	[sflag:s18] =	ssyncadd.s32 $0xFFFFF800  }
0x6e: {  	_ =	swait.ge [sflag:s18], $0x800  }
0x6f: {  	s17 =	sand.u32 $0x3, s16;
	p0 =	slt.u32 s16, $0x4;
	[sflag:s18] =	ssyncset.done $0x0  }
0x70: {  	[sflag:s18] =	ssyncadd.s32 $0xFFFFF800;
	s18 =	sadd.s32 @!p0 $0x9, s17  }
0x71: {  	s21 =	sshll.u32 s14, $0xD;
	_ =	swait.ge @!p0 [sflag:s18], $0x1900  }
0x72: {  	s19 =	sand.u32 $0xE000, s21;
	[sflag:s18] =	ssyncset.done @!p0 $0x0  }
0x73: {  	s23 =	sadd.s32 $0x6680, s19;
	[sflag:s18] =	ssyncadd.s32 @!p0 $0xFFFFE700  }
0x74: {  	v1 =	vld [tilespmem:s23+$0x180]  }
0x75: {  	v2 =	vld [tilespmem:s23+$0xFFFFFE80]  }
0x76: {  	s22 =	sand.u32 $0x3, s15;
	v3 =	vld [tilespmem:s23+$0xFFFFFF00]  }
0x77: {  	s18 =	smul.u32 $0x7000, s22;
	v4 =	vld [tilespmem:s23+$0xFFFFFF80]  }
0x78: {  	v5 =	vld [tilespmem:s23+$0x0]  }
0x79: {  	v6 =	vld [tilespmem:s23+$0x80];
	s24 =	sshrl.u32 s18, $0x2;
	v1 =	vmul.f32 $8.000000000e+00, v1  }
0x7a: {  	v7 =	vld [tilespmem:s23+$0x100];
	s18 =	sadd.s32 $0x16680, s24;
	v2 =	vmul.f32 $8.000000000e+00, v2  }
0x7b: {  	v8 =	vld [tilespmem:s23+$0xFFFFFE00];
	v3 =	vmul.f32 $8.000000000e+00, v3;
	[tilespmem:s18+$0x180] =	vst v1  }
0x7c: {  	[tilespmem:s18+$0xFFFFFE80] =	vst v2;
	v1 =	vmul.f32 $8.000000000e+00, v4;
	v2 =	vld [tilespmem:s23+$0x190]  }
0x7d: {  	[tilespmem:s18+$0xFFFFFF00] =	vst v3;
	v3 =	vmul.f32 $8.000000000e+00, v5;
	v4 =	vld [tilespmem:s23+$0xFFFFFE90]  }
0x7e: {  	v5 =	vld [tilespmem:s23+$0xFFFFFF10];
	[tilespmem:s18+$0xFFFFFF80] =	vst v1;
	v1 =	vmul.f32 $8.000000000e+00, v6  }
0x7f: {  	[tilespmem:s18+$0x0] =	vst v3;
	v3 =	vmul.f32 $8.000000000e+00, v7;
	v6 =	vld [tilespmem:s23+$0xFFFFFF90]  }
0x80: {  	v7 =	vmul.f32 $8.000000000e+00, v8;
	v8 =	vld [tilespmem:s23+$0x10];
	[tilespmem:s18+$0x80] =	vst v1  }
0x81: {  	[tilespmem:s18+$0x100] =	vst v3;
	v1 =	vld [tilespmem:s23+$0x90];
	v2 =	vmul.f32 $8.000000000e+00, v2  }
0x82: {  	[tilespmem:s18+$0xFFFFFE00] =	vst v7;
	v3 =	vmul.f32 $8.000000000e+00, v4;
	v4 =	vld [tilespmem:s23+$0x110]  }
0x83: {  	v7 =	vld [tilespmem:s23+$0xFFFFFE10];
	v5 =	vmul.f32 $8.000000000e+00, v5;
	[tilespmem:s18+$0x190] =	vst v2  }
0x84: {  	[tilespmem:s18+$0xFFFFFE90] =	vst v3;
	v2 =	vmul.f32 $8.000000000e+00, v6;
	v3 =	vld [tilespmem:s23+$0x1A0]  }
0x85: {  	[tilespmem:s18+$0xFFFFFF10] =	vst v5;
	v5 =	vmul.f32 $8.000000000e+00, v8;
	v6 =	vld [tilespmem:s23+$0xFFFFFEA0]  }
0x86: {  	v8 =	vld [tilespmem:s23+$0xFFFFFF20];
	[tilespmem:s18+$0xFFFFFF90] =	vst v2;
	v1 =	vmul.f32 $8.000000000e+00, v1  }
0x87: {  	[tilespmem:s18+$0x10] =	vst v5;
	v2 =	vld [tilespmem:s23+$0xFFFFFFA0];
	v4 =	vmul.f32 $8.000000000e+00, v4  }
0x88: {  	v5 =	vmul.f32 $8.000000000e+00, v7;
	v7 =	vld [tilespmem:s23+$0x20];
	[tilespmem:s18+$0x90] =	vst v1  }
0x89: {  	v1 =	vld [tilespmem:s23+$0xA0];
	[tilespmem:s18+$0x110] =	vst v4;
	v3 =	vmul.f32 $8.000000000e+00, v3  }
0x8a: {  	[tilespmem:s18+$0xFFFFFE10] =	vst v5;
	v4 =	vmul.f32 $8.000000000e+00, v6;
	v5 =	vld [tilespmem:s23+$0x120]  }
0x8b: {  	v6 =	vld [tilespmem:s23+$0xFFFFFE20];
	v8 =	vmul.f32 $8.000000000e+00, v8;
	[tilespmem:s18+$0x1A0] =	vst v3  }
0x8c: {  	[tilespmem:s18+$0xFFFFFEA0] =	vst v4;
	v2 =	vmul.f32 $8.000000000e+00, v2;
	v4 =	vld [tilespmem:s23+$0x1B0]  }
0x8d: {  	[tilespmem:s18+$0xFFFFFF20] =	vst v8;
	v3 =	vmul.f32 $8.000000000e+00, v7;
	v9 =	vld [tilespmem:s23+$0xFFFFFEB0]  }
0x8e: {  	v8 =	vld [tilespmem:s23+$0xFFFFFF30];
	[tilespmem:s18+$0xFFFFFFA0] =	vst v2;
	v2 =	vmul.f32 $8.000000000e+00, v1  }
0x8f: {  	[tilespmem:s18+$0x20] =	vst v3;
	v1 =	vld [tilespmem:s23+$0xFFFFFFB0];
	v5 =	vmul.f32 $8.000000000e+00, v5  }
0x90: {  	s22 =	smul.u32 $0x7000, s17;
	v6 =	vmul.f32 $8.000000000e+00, v6;
	v3 =	vld [tilespmem:s23+$0x30];
	[tilespmem:s18+$0xA0] =	vst v2  }
0x91: {  	v2 =	vld [tilespmem:s23+$0xB0];
	[tilespmem:s18+$0x120] =	vst v5;
	v10 =	vmul.f32 $8.000000000e+00, v4  }
0x92: {  	s20 =	sadd.s32 $0x7C80, s19;
	s21 =	sadd.s32 $0x17CB0, s24;
	s24 =	sshrl.u32 s22, $0x2;
	[tilespmem:s18+$0xFFFFFE20] =	vst v6;
	v4 =	vld [tilespmem:s23+$0x130];
	v7 =	vmul.f32 $8.000000000e+00, v9  }
0x93: {  	s22 =	simm.s32 $0x0;
	s19 =	sadd.s32 $0x16480, s24;
	v5 =	vld [tilespmem:s23+$0xFFFFFE30];
	v6 =	vmul.f32 $8.000000000e+00, v8;
	s23 =	sadd.s32 $0x400, s23;
	[tilespmem:s18+$0x1B0] =	vst v10  }
.LBB2_3:
0x94: {  	v8 =	vld [tilespmem:s23+$0x180];
	s22 =	sadd.s32 $0x8, s22;
	[tilespmem:s18+$0xFFFFFEB0] =	vst v7;
	v1 =	vmul.f32 $8.000000000e+00, v1  }
0x95: {  	v7 =	vld [tilespmem:s23+$0xFFFFFE80];
	p0 =	slt.u32 s22, $0x28;
	[tilespmem:s18+$0xFFFFFF30] =	vst v6;
	v3 =	vmul.f32 $8.000000000e+00, v3  }
0x96: {  	v6 =	vld [tilespmem:s23+$0xFFFFFF00];
	[tilespmem:s18+$0xFFFFFFB0] =	vst v1;
	v1 =	vmul.f32 $8.000000000e+00, v2  }
0x97: {  	v2 =	vld [tilespmem:s23+$0xFFFFFF80];
	[tilespmem:s18+$0x30] =	vst v3;
	v3 =	vmul.f32 $8.000000000e+00, v4  }
0x98: {  	v4 =	vld [tilespmem:s23+$0x0];
	v5 =	vmul.f32 $8.000000000e+00, v5;
	[tilespmem:s18+$0xB0] =	vst v1  }
0x99: {  	v1 =	vld [tilespmem:s23+$0x80];
	v8 =	vmul.f32 $8.000000000e+00, v8;
	[tilespmem:s18+$0x130] =	vst v3  }
0x9a: {  	v3 =	vmul.f32 $8.000000000e+00, v7;
	v7 =	vld [tilespmem:s23+$0x100];
	[tilespmem:s18+$0xFFFFFE30] =	vst v5;
	s18 =	sadd.s32 $0x400, s18  }
0x9b: {  	v5 =	vld [tilespmem:s23+$0xFFFFFE00];
	v6 =	vmul.f32 $8.000000000e+00, v6;
	[tilespmem:s18+$0x180] =	vst v8  }
0x9c: {  	[tilespmem:s18+$0xFFFFFE80] =	vst v3;
	v2 =	vmul.f32 $8.000000000e+00, v2;
	v3 =	vld [tilespmem:s23+$0x190]  }
0x9d: {  	v8 =	vld [tilespmem:s23+$0xFFFFFE90];
	[tilespmem:s18+$0xFFFFFF00] =	vst v6;
	v4 =	vmul.f32 $8.000000000e+00, v4  }
0x9e: {  	v6 =	vld [tilespmem:s23+$0xFFFFFF10];
	[tilespmem:s18+$0xFFFFFF80] =	vst v2;
	v1 =	vmul.f32 $8.000000000e+00, v1  }
0x9f: {  	v2 =	vld [tilespmem:s23+$0xFFFFFF90];
	[tilespmem:s18+$0x0] =	vst v4;
	v4 =	vmul.f32 $8.000000000e+00, v7  }
0xa0: {  	v5 =	vmul.f32 $8.000000000e+00, v5;
	v7 =	vld [tilespmem:s23+$0x10];
	[tilespmem:s18+$0x80] =	vst v1  }
0xa1: {  	v1 =	vld [tilespmem:s23+$0x90];
	[tilespmem:s18+$0x100] =	vst v4;
	v3 =	vmul.f32 $8.000000000e+00, v3  }
0xa2: {  	[tilespmem:s18+$0xFFFFFE00] =	vst v5;
	v4 =	vmul.f32 $8.000000000e+00, v8;
	v5 =	vld [tilespmem:s23+$0x110]  }
0xa3: {  	v8 =	vld [tilespmem:s23+$0xFFFFFE10];
	v6 =	vmul.f32 $8.000000000e+00, v6;
	[tilespmem:s18+$0x190] =	vst v3  }
0xa4: {  	[tilespmem:s18+$0xFFFFFE90] =	vst v4;
	v2 =	vmul.f32 $8.000000000e+00, v2;
	v3 =	vld [tilespmem:s23+$0x1A0]  }
0xa5: {  	v4 =	vld [tilespmem:s23+$0xFFFFFEA0];
	[tilespmem:s18+$0xFFFFFF10] =	vst v6;
	v6 =	vmul.f32 $8.000000000e+00, v7  }
0xa6: {  	v7 =	vld [tilespmem:s23+$0xFFFFFF20];
	[tilespmem:s18+$0xFFFFFF90] =	vst v2;
	v1 =	vmul.f32 $8.000000000e+00, v1  }
0xa7: {  	v2 =	vld [tilespmem:s23+$0xFFFFFFA0];
	[tilespmem:s18+$0x10] =	vst v6;
	v5 =	vmul.f32 $8.000000000e+00, v5  }
0xa8: {  	v6 =	vmul.f32 $8.000000000e+00, v8;
	v8 =	vld [tilespmem:s23+$0x20];
	[tilespmem:s18+$0x90] =	vst v1  }
0xa9: {  	v1 =	vld [tilespmem:s23+$0xA0];
	[tilespmem:s18+$0x110] =	vst v5;
	v3 =	vmul.f32 $8.000000000e+00, v3  }
0xaa: {  	[tilespmem:s18+$0xFFFFFE10] =	vst v6;
	v4 =	vmul.f32 $8.000000000e+00, v4;
	v5 =	vld [tilespmem:s23+$0x120]  }
0xab: {  	v6 =	vld [tilespmem:s23+$0xFFFFFE20];
	v7 =	vmul.f32 $8.000000000e+00, v7;
	[tilespmem:s18+$0x1A0] =	vst v3  }
0xac: {  	[tilespmem:s18+$0xFFFFFEA0] =	vst v4;
	v2 =	vmul.f32 $8.000000000e+00, v2;
	v4 =	vld [tilespmem:s23+$0x1B0]  }
0xad: {  	v9 =	vld [tilespmem:s23+$0xFFFFFEB0];
	[tilespmem:s18+$0xFFFFFF20] =	vst v7;
	v3 =	vmul.f32 $8.000000000e+00, v8  }
0xae: {  	v8 =	vld [tilespmem:s23+$0xFFFFFF30];
	[tilespmem:s18+$0xFFFFFFA0] =	vst v2;
	v2 =	vmul.f32 $8.000000000e+00, v1  }
.Ltmp0:
0xaf: {  	v1 =	vld [tilespmem:s23+$0xFFFFFFB0];
	[tilespmem:s18+$0x20] =	vst v3;
	v5 =	vmul.f32 $8.000000000e+00, v5;
	(pc) =	sbr.rel @p0 .LBB2_3-.Ltmp0, $4  }
0xb0: {  	v6 =	vmul.f32 $8.000000000e+00, v6;
	v3 =	vld [tilespmem:s23+$0x30];
	[tilespmem:s18+$0xA0] =	vst v2  }
0xb1: {  	v2 =	vld [tilespmem:s23+$0xB0];
	[tilespmem:s18+$0x120] =	vst v5;
	v10 =	vmul.f32 $8.000000000e+00, v4  }
0xb2: {  	[tilespmem:s18+$0xFFFFFE20] =	vst v6;
	v7 =	vmul.f32 $8.000000000e+00, v9;
	v4 =	vld [tilespmem:s23+$0x130]  }
0xb3: {  	s24 =	simm.s32 $0x0;
	v5 =	vld [tilespmem:s23+$0xFFFFFE30];
	v6 =	vmul.f32 $8.000000000e+00, v8;
	[tilespmem:s18+$0x1B0] =	vst v10;
	s23 =	sadd.s32 $0x400, s23  }
0xb4: {  	[tilespmem:s18+$0xFFFFFEB0] =	vst v7;
	v1 =	vmul.f32 $8.000000000e+00, v1  }
0xb5: {  	[tilespmem:s18+$0xFFFFFF30] =	vst v6;
	v3 =	vmul.f32 $8.000000000e+00, v3  }
0xb6: {  	[tilespmem:s18+$0xFFFFFFB0] =	vst v1;
	v1 =	vmul.f32 $8.000000000e+00, v2  }
0xb7: {  	[tilespmem:s18+$0x30] =	vst v3;
	v2 =	vmul.f32 $8.000000000e+00, v4  }
0xb8: {  	v3 =	vmul.f32 $8.000000000e+00, v5;
	[tilespmem:s18+$0xB0] =	vst v1  }
0xb9: {  	[tilespmem:s18+$0x130] =	vst v2  }
0xba: {  	[tilespmem:s18+$0xFFFFFE30] =	vst v3  }
.LBB2_5:
0xbb: {  	s18 =	sshra.s32 s24, $0x2  }
0xbc: {  	s22 =	sadd.s32 s18, s20  }
0xbd: {  	v1 =	vld [tilespmem:s22+$0x0];
	_ =	sdelay $0x4  }
0xbe: {  	v1 =	vmul.f32 $8.000000000e+00, v1  }
0xbf: {  	s18 =	sadd.s32 s18, s21  }
0xc0: {  	[tilespmem:s18+$0xFFFFFFD0] =	vst v1  }
0xc1: {  	v1 =	vld [tilespmem:s22+$0x10];
	_ =	sdelay $0x4  }
0xc2: {  	v1 =	vmul.f32 $8.000000000e+00, v1;
	_ =	sdelay $0x1  }
0xc3: {  	[tilespmem:s18+$0xFFFFFFE0] =	vst v1  }
0xc4: {  	v1 =	vld [tilespmem:s22+$0x20];
	_ =	sdelay $0x4  }
0xc5: {  	v1 =	vmul.f32 $8.000000000e+00, v1;
	_ =	sdelay $0x1  }
0xc6: {  	[tilespmem:s18+$0xFFFFFFF0] =	vst v1  }
0xc7: {  	v1 =	vld [tilespmem:s22+$0x30];
	_ =	sdelay $0x1  }
0xc8: {  	p0 =	sne.s32 s24, $0x200  }
.Ltmp1:
0xc9: {  	_ = 	snop;
	(pc) =	sbr.rel @p0 .LBB2_5-.Ltmp1, $3  }
0xca: {  	_ = 	snop  }
0xcb: {  	v1 =	vmul.f32 $8.000000000e+00, v1;
	_ =	sdelay $0x1  }
0xcc: {  	s24 =	sadd.s32 $0x200, s24;
	[tilespmem:s18+$0x0] =	vst v1  }
0xcd: {  	s18 =	sadd.s32 s6, s16;
	s16 =	sadd.s32 $0x1, s16  }
0xce: {  	p0 =	sne.s32 s16, $0x200  }
.Ltmp2:
0xcf: {  	_ = 	snop;
	(pc) =	sbr.rel @p0 .LBB2_2-.Ltmp2, $4  }
0xd0: {  	s18 =	smul.u32 $0x380, s18  }
0xd1: {  	s17 =	sadd.s32 $0x9, s17  }
0xd2: {  	s15 =	sadd.s32 $0x1, s15;
	s14 =	sadd.s32 $0x1, s14;
	s18 =	sadd.s32 s4, s18  }
0xd3: {  	[hbm4b:s18+s2] =	stream.linear.scatter [tilespmem:s19], [sflag:s17], $0x1900, $0x38;
	[tilespmem:$0x1D480] =	vst v63  }
0xd4: {  	_ =	swait.ge [sflag:s9], $0x1900  }
0xd5: {  	[sflag:s9] =	ssyncset.done $0x0  }
0xd6: {  	[sflag:s9] =	ssyncadd.s32 $0xFFFFE700  }
0xd7: {  	_ =	swait.ge [sflag:s10], $0x1900  }
0xd8: {  	[sflag:s10] =	ssyncset.done $0x0  }
0xd9: {  	s13 =	sadd.s32 $0x1, s13;
	[sflag:s10] =	ssyncadd.s32 $0xFFFFE700  }
0xda: {  	p0 =	sne.s32 s13, s7;
	_ =	swait.ge [sflag:s11], $0x1900  }
.Ltmp3:
0xdb: {  	[sflag:s11] =	ssyncset.done $0x0;
	(pc) =	sbr.rel @p0 .LBB2_1-.Ltmp3, $4  }
0xdc: {  	[sflag:s11] =	ssyncadd.s32 $0xFFFFE700  }
0xdd: {  	_ =	swait.ge [sflag:s12], $0x1900  }
0xde: {  	[sflag:s12] =	ssyncset.done $0x0  }
0xdf: {  	[sflag:s12] =	ssyncadd.s32 $0xFFFFE700  }
0xe0: {  	_ =	sfence.sel $0x180000  }
0xe1: {  	[bflag:$0x0] =	sbarrier.arrive $0xFFFF  }
0xe2: {  	_ =	strace $0x90000047  }
0xe3: {  	s0 =	stileid.u32;
	[bflag:$0x2] =	sbarrier.arrive $0xFFFF  }
0xe4: {  	p0 =	sne.s32 s0, $0x0;
	s0 =	rddreg [dreg:$0x2]  }
0xe5: {  	s0 =	sadd.s32 @!p0 $0x100000, s0  }
0xe6: {  	[sflag:s0] =	ssyncadd.tile.s32 @!p0 $0x1;
	_ =	shalt  }
.Lfunc_end2:
_tile_overlayer_lowered:
.L_overlay_start_2:
0xe7: {  	(tag) =	ssettag $0x2  }
0xe8: {  	s0 =	rddreg [dreg:$0x0];
	s2 =	stileid.u32  }
0xe9: {  	s1 =	rddreg [dreg:$0x1];
	p0 =	sne.s32 s2, $0x0  }
0xea: {  	s3 =	rddreg [dreg:$0x2];
	[bflag:$0x3] =	sbarrier.arrive $0xFFFF;
	s2 =	simm.s32 @!p0 $0x1C0D  }
0xeb: {  	[timem:s3], [sflag:s2] =	dma.local @!p0 [hbm:s0], s1  }
0xec: {  	s0 =	simm.s32 @!p0 $0xD  }
0xed: {  	_ =	swait.ge @!p0 [sflag:s0], s1  }
0xee: {  	s1 =	ssub.s32 @!p0 $0x0, s1;
	[sflag:s0] =	ssyncset.done @!p0 $0x0  }
0xef: {  	[sflag:s0] =	ssyncadd.s32 @!p0 s1  }
0xf0: {  	[bflag:$0x3] =	sbarrier.arrive $0xFFFF  }
0xf1: {  	_ =	shalt  }

// kernel: sparse-core-data-format-call.cloned.1.call-start
scs
called_computation_lowered:
.L_overlay_start_0:
0x0: {  	s2 =	sld [smem:$0x3FD9]  }
0x1: {  	s3 =	sld [smem:$0x3FFE];
	_ =	sdelay $0x1  }
0x2: {  	s1 =	srdreg.scid  }
0x3: {  	s0 =	sand.u32 $0x1, s1  }
0x4: {  	s18 =	sshll.u32 s0, $0xA;
	s2 =	sadd.s32 s3, s2  }
0x5: {  	s2 =	sadd.s32 s2, s18  }
0x6: {  	[smem:$0x3FC6] =	sst s2  }
0x7: {  	_ = 	snop  }
0x8: {  	s2 =	sld [smem:$0x3FD0];
	(tm) =	ssettm $0x1  }
0x9: {  	s19 =	sld [smem:$0x3FFB];
	_ =	sdelay $0x3  }
0xa: {  	_ =	strace s19  }
0xb: {  	s3 =	sld [smem:$0x3FFC];
	_ =	sdelay $0x3  }
0xc: {  	_ =	strace s3  }
0xd: {  	s3 =	sld [smem:$0x3FFD];
	_ =	sdelay $0x3  }
0xe: {  	_ =	strace s3  }
0xf: {  	_ =	strace $0x8FFFFFFF  }
0x10: {  	s20 =	sld [smem:$0x3FDB];
	_ =	sdelay $0x1  }
0x11: {  	s4 =	simm.s32 $_scs_section_size  }
0x12: {  	s5 =	simm.s32 $_size__tile_overlayer_lowered;
	s6 =	simm.s32 $_tile_overlayer_lowered  }
0x13: {  	s23 =	simm.s32 $0x1BFF;
	s22 =	sshll.u32 s6, $0x1;
	s3 =	sadd.s32 s4, s20  }
0x14: {  	s7 =	simm.s32 $0x0;
	s21 =	sshll.u32 s5, $0x1;
	s5 =	sadd.s32 s22, s3  }
0x15: {  	[timem:s7], [sflag:s23] =	dma.local [hbm:s5], s21  }
0x16: {  	_ =	swait.ge [sflag:s23], s21  }
0x17: {  	s4 =	ssub.s32 $0x0, s21;
	[sflag:s23] =	ssyncset.done $0x0  }
0x18: {  	[sflag:s23] =	ssyncadd.s32 s4;
	_ =	sdelay $0x1  }
0x19: {  	s24 =	simm.s32 $0x1B8B  }
0x1a: {  	_ =	swait.ge [sflag:s24], $0x1  }
0x1b: {  	[sflag:s24] =	ssyncset.done $0x0  }
0x1c: {  	s26 =	simm.s32 $0x1B8E;
	s25 =	sld [smem:$0x3FFE];
	[sflag:s24] =	ssyncadd.s32 $0xFFFFFFFF  }
0x1d: {  	s27 =	simm.s32 $execute0_lowered;
	[smem:$0x3FD2] =	sst s26  }
0x1e: {  	s5 =	sshll.u32 s27, $0x1;
	_ =	strace $0x80000049;
	[dreg:$0x1] =	wrdreg $0xFFFFFFFF  }
0x1f: {  	s28 =	simm.s32 $_size_execute0_lowered;
	s3 =	sadd.s32 s3, s5;
	[dreg:$0x0] =	wrdreg $0x0  }
0x20: {  	s5 =	sshll.u32 s28, $0x1;
	[dreg:$0x2] =	wrdreg s3  }
0x21: {  	[dreg:$0x3] =	wrdreg s5  }
0x22: {  	[dreg:$0x4] =	wrdreg $0xC0  }
0x23: {  	_ =	task [dreg:s7], $0x5FFFF  }
0x24: {  	[dreg:$0x1] =	wrdreg $0xFFFFFFFF  }
0x25: {  	[dreg:$0x0] =	wrdreg $0x60  }
0x26: {  	[dreg:$0x2] =	wrdreg s25  }
0x27: {  	[dreg:$0x3] =	wrdreg s2  }
0x28: {  	[dreg:$0x4] =	wrdreg $0x9  }
0x29: {  	_ =	task.clear_ibuf [dreg:s7], $0x5FFFF;
	_ =	strace $0x90000049  }
0x2a: {  	s29 =	simm.s32 $0x9;
	_ =	strace $0x8000004B  }
0x2b: {  	_ =	swait.ge [sflag:s29], $0x1  }
0x2c: {  	[sflag:s29] =	ssyncadd.s32 $0xFFFFFFFF  }
0x2d: {  	_ =	strace $0x9000004B  }
0x2e: {  	_ =	sfence  }
0x2f: {  	s30 =	sld [smem:$0x0];
	_ =	sdelay $0x2  }
0x30: {  	s31 =	sshll.u32 s1, $0xD;
	s1 =	sshrl.u32 s1, $0x2  }
0x31: {  	s3 =	sand.u32 $0x4000, s31;
	s1 =	sadd.s32 s1, s30  }
0x32: {  	s0 =	sor.u32 s3, s0;
	s1 =	sshll.u32 s1, $0x11  }
0x33: {  	s0 =	sor.u32 s1, s0  }
0x34: {  	s0 =	sadd.s32 $0x8F2B, s0  }
0x35: {  	[sflag:s0] =	ssyncadd.remote.s32 $0x1  }
0x36: {  	_ =	sfence.sel $0xFFFF  }
0x37: {  	[dreg:$0x0] =	wrdreg $0xFFFFFFFF;
	(pc) =	sbr.abs _section_cstart, $3  }
0x38: {  	[dreg:$0x1] =	wrdreg $0xFFFFFFFF  }
0x39: {  	_ =	task.clear_ibuf [dreg:s7], $0x2FFFF;
	_ =	strace $0x9FFFFFFF  }
0x3a: {  	(tm) =	ssettm $0x7FFFFFFF  }
0x3b: {  	_ =	shalt  }
tec
execute0_lowered:
.L_overlay_start_1:
0x0: {  	(tag) =	ssettag $0x1  }
0x1: {  	s0 =	srdreg.scid  }
0x2: {  	s1 =	sshll.u32 s0, $0x4  }
0x3: {  	s0 =	stileid.u32;
	s1 =	sand.u32 $0x10, s1  }
0x4: {  	s1 =	sor.u32 s0, s1  }
0x5: {  	s6 =	rddreg [dreg:$0x0];
	s4 =	simm.s32 $0x1;
	s2 =	sshll.u32 s1, $0x7  }
0x6: {  	s7 =	simm.s32 $0x2;
	s12 =	simm.s32 $0x0;
	s1 =	ssub.s32 $0x4000, s2  }
0x7: {  	s8 =	simm.s32 $0x20000;
	s13 =	simm.s32 $0x0;
	s3 =	sand.u32 $0xF80, s1  }
0x8: {  	s9 =	simm.s32 $0x0;
	s5 =	sshrl.u32 s1, $0xC;
	p0 =	sne.s32 s3, $0x0  }
.Ltmp0:
0x9: {  	s1 =	rddreg [dreg:$0x2];
	s4 =	simm.s32 @!p0 $0x0;
	(pc) =	sbr.rel .LBB1_1-.Ltmp0, $4  }
0xa: {  	s11 =	simm.s32 $0x0;
	s3 =	rddreg [dreg:$0x1];
	s5 =	sadd.s32 s4, s5  }
0xb: {  	_ =	strace $0x8000004A;
	s4 =	simm.s32 $0x1;
	s5 =	smul.u32 $0x32, s5  }
0xc: {  	s6 =	sadd.s32 $0xA00, s6;
	s10 =	smov.u32 s2;
	[sflag:s4] =	ssyncpa.u1 $0x0  }
0xd: {  	p0 =	por $0x0, $0x0;
	[sflag:s7] =	ssyncpa.u1 $0x0;
	s7 =	sor.u32 $0x1, s5  }
.LBB1_4:
0xe: {  	s16 =	sshll.u32 s13, $0x3;
	s17 =	sand.u32 $0x78, s13  }
0xf: {  	s30 =	sand.u32 $0x1F800, s13;
	s12 =	sshll.u32 s12, $0x11;
	s16 =	sand.u32 $0x3C00, s16  }
0x10: {  	[tilespmem:s15+$0x810 ss:$0x81] =	vst.msk $0xffff, v2;
	s31 =	sand.u32 $0x7, s13;
	s16 =	sor.u32 s17, s16;
	s17 =	sadd.s32 s3, s30  }
0x11: {  	[tilespmem:s15+$0x1020 ss:$0x81] =	vst.msk $0xffff, v0;
	s13 =	sshll.u32 s31, $0x12;
	s12 =	sadd.s32 s12, s17;
	s16 =	sshrl.u32 s16, $0x3  }
0x12: {  	[tilespmem:s15+$0x0 ss:$0x81] =	vst.msk $0xffff, v1;
	s13 =	sor.u32 $0x400, s13;
	s12 =	sadd.s32 s16, s12  }
0x13: {  	[hbm4b:s12+s13] =	stream.strided.scatter [tilespmem:s14], [sflag:$0x2], $0x2000, s8, s13, $0x20;
	[tilespmem:$0x8080] =	vst v63  }
.LBB1_5:
0x14: {  	s14 =	sadd.s32 $0x1, s9  }
0x15: {  	s12 =	sadd.s32 $0x1000, s10;
	s16 =	smov.u32 s10;
	p2 =	sgt.s32 s14, $0x31  }
0x16: {  	s16 =	smov.u32 @p2 s12  }
0x17: {  	s14 =	simm.s32 @p2 $0x0;
	p2 =	sgt.s32 s16, $0x3FFF  }
0x18: {  	s16 =	smov.u32 @p2 s2;
	p2 =	sne.s32 s11, s7  }
.Ltmp1:
0x19: {  	p1 =	slt.u32 s11, $0x2;
	(pc) =	sbr.rel @!p2 .LBB1_6-.Ltmp1, $4  }
0x1a: {  	s15 =	simm.s32 @!p1 $0x2  }
0x1b: {  	s13 =	smov.u32 s10;
	p0 =	por !p0, !p0;
	_ =	swait.ge @!p1 [sflag:s15], $0x2000  }
0x1c: {  	s12 =	smov.u32 s9;
	[sflag:s15] =	ssyncset.done @!p1 $0x0;
	s9 =	smov.u32 s14  }
0x1d: {  	s11 =	sadd.s32 $0x1, s11;
	[sflag:s15] =	ssyncadd.s32 @!p1 $0xFFFFE000;
	s10 =	smov.u32 s16  }
.LBB1_1:
0x1e: {  	p1 =	sge.u32 s11, s5  }
0x1f: {  	s14 =	sand.u32 @!p1 $0x1FFFFFF, s9  }
0x20: {  	s15 =	smulhi.u32 @!p1 $0x4924925, s14;
	_ =	sdelay $0x1  }
0x21: {  	s15 =	smul.u32 @!p1 $0x38, s15  }
0x22: {  	s16 =	sxor.u32 @!p1 $0xFFFFFFFF, s11;
	s17 =	smul.u32 @!p1 $0x380, s10  }
0x23: {  	s31 =	sadd.s32 $0xFFFFFFFF, s11;
	s16 =	sshll.u32 @!p1 s16, $0xD;
	s14 =	ssub.s32 @!p1 s14, s15  }
0x24: {  	s15 =	sand.u32 @!p1 $0x2000, s16;
	s16 =	sadd.s32 @!p1 s6, s17;
	s14 =	sshll.u32 @!p1 s14, $0x4  }
0x25: {  	s17 =	simm.s32 @!p1 $0x1C00;
	s14 =	sadd.s32 @!p1 s14, s16;
	s16 =	simm.s32 @!p1 $0x40  }
0x26: {  	[tilespmem:s15], [sflag:$0x1] =	stream.strided.gather @!p1 [hbm4b:s14+s16], $0x2000, s17, s16, $0x38;
	[tilespmem:$0x8080] =	vst v63  }
0x27: {  	p1 =	sge.u32 s31, s5  }
.Ltmp2:
0x28: {  	_ = 	snop;
	(pc) =	sbr.rel @p1 .LBB1_5-.Ltmp2, $1  }
0x29: {  	_ =	sdelay $0x3  }
0x2a: {  	s14 =	simm.s32 $0x1  }
0x2b: {  	_ =	swait.ge [sflag:s4], $0x2000;
	s14 =	simm.s32 @!p0 $0x0  }
0x2c: {  	[sflag:s4] =	ssyncset.done $0x0;
	s15 =	sshll.u32 s14, $0xD  }
0x2d: {  	[sflag:s4] =	ssyncadd.s32 $0xFFFFE000;
	s18 =	sor.u32 $0x20, s15  }
0x2e: {  	s14 =	smul.u32 $0x8100, s14;
	v3 =	vld [tilespmem:s18+$0x10]  }
0x2f: {  	s30 =	sand.u32 $0x1, s11;
	v2 =	vld [tilespmem:s18+$0xFFFFFFF0]  }
0x30: {  	s15 =	smul.u32 $0x8100, s30;
	s14 =	sshrl.u32 s14, $0x2;
	v0 =	vld [tilespmem:s18+$0x0]  }
0x31: {  	v1 =	vld [tilespmem:s18+$0xFFFFFFE0];
	s16 =	sor.u32 $0x4000, s14  }
0x32: {  	s31 =	sshrl.u32 s15, $0x2;
	s15 =	sadd.s32 $0x0, s16  }
0x33: {  	s17 =	simm.s32 $0x4;
	s18 =	sadd.s32 $0x40, s18;
	s14 =	sor.u32 $0x4000, s31;
	[tilespmem:s15+$0x1830 ss:$0x81] =	vst.msk $0xffff, v3  }
.LBB1_3:
0x34: {  	v3 =	vld [tilespmem:s18+$0x10];
	p1 =	sne.s32 s17, $0x1FC;
	[tilespmem:s15+$0x810 ss:$0x81] =	vst.msk $0xffff, v2;
	s19 =	smov.u32 s17;
	s17 =	sadd.s32 $0x4, s17  }
.Ltmp3:
0x35: {  	v2 =	vld [tilespmem:s18+$0xFFFFFFF0];
	[tilespmem:s15+$0x1020 ss:$0x81] =	vst.msk $0xffff, v0;
	(pc) =	sbr.rel @p1 .LBB1_3-.Ltmp3, $4  }
0x36: {  	v0 =	vld [tilespmem:s18+$0x0];
	[tilespmem:s15+$0x0 ss:$0x81] =	vst.msk $0xffff, v1  }
0x37: {  	s15 =	sshra.s32 s19, $0x2;
	v1 =	vld [tilespmem:s18+$0xFFFFFFE0]  }
0x38: {  	s15 =	sadd.s32 s15, s16  }
0x39: {  	s18 =	sadd.s32 $0x40, s18;
	[tilespmem:s15+$0x1830 ss:$0x81] =	vst.msk $0xffff, v3  }
.Ltmp4:
0x3a: {  	_ = 	snop;
	(pc) =	sbr.rel .LBB1_4-.Ltmp4, $1  }
0x3b: {  	_ =	sdelay $0x3  }
.LBB1_6:
0x3c: {  	_ =	sfence.sel $0x180000  }
0x3d: {  	s2 =	simm.s32 $0x1;
	[bflag:$0x0] =	sbarrier.arrive $0xFFFF  }
0x3e: {  	s31 =	simm.s32 $0x2;
	[sflag:s2] =	ssyncpa.u1 $0x1  }
0x3f: {  	[sflag:s31] =	ssyncpa.u1 $0x1  }
0x40: {  	p0 =	sne.s32 s0, $0x0;
	_ =	strace $0x9000004A  }
0x41: {  	s0 =	sadd.s32 @!p0 $0x100000, s1;
	[bflag:$0x2] =	sbarrier.arrive $0xFFFF  }
0x42: {  	[sflag:s0] =	ssyncadd.tile.s32 @!p0 $0x1;
	_ =	shalt  }
.Lfunc_end1:
_tile_overlayer_lowered:
.L_overlay_start_2:
0x43: {  	(tag) =	ssettag $0x2  }
0x44: {  	s0 =	rddreg [dreg:$0x0];
	s2 =	stileid.u32  }
0x45: {  	s1 =	rddreg [dreg:$0x1];
	p0 =	sne.s32 s2, $0x0  }
0x46: {  	s3 =	rddreg [dreg:$0x2];
	[bflag:$0x3] =	sbarrier.arrive $0xFFFF;
	s2 =	simm.s32 @!p0 $0x1C01  }
0x47: {  	[timem:s3], [sflag:s2] =	dma.local @!p0 [hbm:s0], s1  }
0x48: {  	s0 =	simm.s32 @!p0 $0x1  }
0x49: {  	_ =	swait.ge @!p0 [sflag:s0], s1  }
0x4a: {  	s1 =	ssub.s32 @!p0 $0x0, s1;
	[sflag:s0] =	ssyncset.done @!p0 $0x0  }
0x4b: {  	[sflag:s0] =	ssyncadd.s32 @!p0 s1  }
0x4c: {  	[bflag:$0x3] =	sbarrier.arrive $0xFFFF  }
0x4d: {  	_ =	shalt  }

</sc_bundles>
